<compile_context>
chip_gen: v7x
topology: tpu7x:2x2x1
jax: 0.10.2.dev20260603
libtpu: 0.0.44.dev20260713+nightly
codegen_flags: <defaults>
</compile_context>

<pallas_src>
import functools

import jax
import jax.numpy as jnp
from jax import lax
from jax.experimental import pallas as pl
from jax.experimental.pallas import tpu as pltpu
from jax.experimental.pallas import tpu_sc as plsc

N = 10000
E = 320000
G = 64
D = 128
L = 16
NC = 2
NS = 16
NW = NC * NS
CHUNK = 128
NPAD = 10240
ROWS_PER_TILE = NPAD // NS
CT0 = 99
CT1 = 59
EPAD = NS * (CT0 + CT1) * CHUNK
RB = 512


@functools.cache
def _make_sc_agg(compute_deg):
  mesh = plsc.VectorSubcoreMesh(core_axis_name="c", subcore_axis_name="s",
                                num_cores=NC, num_subcores=NS)
  out_type = [jax.ShapeDtypeStruct((NC, NPAD, D), jnp.float32)]
  scratch = [
      pltpu.VMEM((CHUNK,), jnp.int32),
      pltpu.VMEM((CHUNK,), jnp.int32),
      pltpu.VMEM((CHUNK, D), jnp.float32),
      pltpu.VMEM_SHARED((NPAD, D), jnp.float32),
      pltpu.SemaphoreType.DMA,
  ]
  if compute_deg:
    out_type.append(jax.ShapeDtypeStruct((NW, NPAD), jnp.float32))
    scratch.append(pltpu.VMEM((NPAD,), jnp.float32))

  def body(x_hbm, src_hbm, dst_hbm, z2d_hbm, *rest):
    if compute_deg:
      z1d_hbm, part_hbm, deg_hbm, sidx, didx, rows0, acc, semR0, deg_v = rest
    else:
      part_hbm, sidx, didx, rows0, acc, semR0 = rest
    c = lax.axis_index("c")
    s = lax.axis_index("s")
    rbase = s * ROWS_PER_TILE
    wid = s * NC + c
    cbase = jnp.where(c == 0, s * CT0, NS * CT0 + s * CT1)
    nch = jnp.where(c == 0, CT0, CT1)

    pltpu.sync_copy(z2d_hbm, acc.at[pl.ds(rbase, ROWS_PER_TILE)])
    if compute_deg:
      pltpu.sync_copy(z1d_hbm, deg_v)

    plsc.subcore_barrier()

    def hist(didx_row):
      for j in range(CHUNK // L):
        idx16 = didx_row[pl.ds(j * L, L)]
        counts, last = plsc.scan_count(idx16)
        plsc.addupdate_scatter(deg_v, [idx16], counts.astype(jnp.float32),
                               mask=last)

    def step(t, carry):
      off = (cbase + t) * CHUNK
      pltpu.sync_copy(src_hbm.at[pl.ds(off, CHUNK)], sidx)
      pltpu.sync_copy(dst_hbm.at[pl.ds(off, CHUNK)], didx)
      pltpu.async_copy(x_hbm.at[sidx], rows0, semR0).wait()
      pltpu.sync_copy(rows0, acc.at[didx], add=True)
      if compute_deg:
        hist(didx)
      return carry
    lax.fori_loop(0, nch, step, None)

    plsc.subcore_barrier()

    pltpu.sync_copy(acc.at[pl.ds(rbase, ROWS_PER_TILE)],
                    part_hbm.at[c].at[pl.ds(rbase, ROWS_PER_TILE)])
    if compute_deg:
      pltpu.sync_copy(deg_v, deg_hbm.at[wid])

  params = pltpu.CompilerParams(needs_layout_passes=False) if compute_deg else None
  return pl.kernel(body, out_type=tuple(out_type), mesh=mesh,
                   scratch_types=tuple(scratch), compiler_params=params)


def _combine(part, degp, xin, Wl, Wr, b):
  def body(p_ref, d_ref, x_ref, wl_ref, wr_ref, b_ref, o_ref):
    agg = p_ref[0] + p_ref[1]
    deg = jnp.sum(d_ref[...], axis=0)
    mean = agg * (1.0 / jnp.maximum(deg, 1.0))[:, None]
    o_ref[...] = (
        jnp.dot(mean, wl_ref[...], preferred_element_type=jnp.float32)
        + jnp.dot(x_ref[...], wr_ref[...], preferred_element_type=jnp.float32)
        + b_ref[...])
  return pl.pallas_call(
      body,
      grid=(NPAD // RB,),
      in_specs=[
          pl.BlockSpec((NC, RB, D), lambda i: (0, i, 0)),
          pl.BlockSpec((NW, RB), lambda i: (0, i)),
          pl.BlockSpec((RB, D), lambda i: (i, 0)),
          pl.BlockSpec((D, D), lambda i: (0, 0)),
          pl.BlockSpec((D, D), lambda i: (0, 0)),
          pl.BlockSpec((1, D), lambda i: (0, 0)),
      ],
      out_specs=pl.BlockSpec((RB, D), lambda i: (i, 0)),
      out_shape=jax.ShapeDtypeStruct((NPAD, D), jnp.float32),
  )(part, degp, xin, Wl, Wr, b)


def _combine_pool(part, degp, hin, Wl, Wr, b, batch3d):
  def body(p_ref, d_ref, h_ref, wl_ref, wr_ref, b_ref, bat_ref, o_ref):
    i = pl.program_id(0)
    @pl.when(i == 0)
    def _init():
      o_ref[...] = jnp.zeros_like(o_ref)
    agg = p_ref[0] + p_ref[1]
    deg = jnp.sum(d_ref[...], axis=0)
    mean = agg * (1.0 / jnp.maximum(deg, 1.0))[:, None]
    h2 = (jnp.dot(mean, wl_ref[...], preferred_element_type=jnp.float32)
          + jnp.dot(h_ref[...], wr_ref[...], preferred_element_type=jnp.float32)
          + b_ref[...])
    bat = bat_ref[0, 0, :]
    onehot = (bat[:, None] == lax.broadcasted_iota(jnp.int32, (RB, G), 1)
              ).astype(jnp.float32)
    o_ref[...] += lax.dot_general(onehot, h2, (((0,), (0,)), ((), ())),
                                  preferred_element_type=jnp.float32)
  return pl.pallas_call(
      body,
      grid=(NPAD // RB,),
      in_specs=[
          pl.BlockSpec((NC, RB, D), lambda i: (0, i, 0)),
          pl.BlockSpec((NW, RB), lambda i: (0, i)),
          pl.BlockSpec((RB, D), lambda i: (i, 0)),
          pl.BlockSpec((D, D), lambda i: (0, 0)),
          pl.BlockSpec((D, D), lambda i: (0, 0)),
          pl.BlockSpec((1, D), lambda i: (0, 0)),
          pl.BlockSpec((1, 1, RB), lambda i: (i, 0, 0)),
      ],
      out_specs=pl.BlockSpec((G, D), lambda i: (0, 0)),
      out_shape=jax.ShapeDtypeStruct((G, D), jnp.float32),
  )(part, degp, hin, Wl, Wr, b, batch3d)


def _head(pooled, W1, bl1, gamma, beta, rm, rv, W2p, bl2p):
  def body(p_ref, w1_ref, b1_ref, g_ref, be_ref, rm_ref, rv_ref, w2_ref,
           b2_ref, o_ref):
    h = jnp.dot(p_ref[...], w1_ref[...],
                preferred_element_type=jnp.float32) + b1_ref[...]
    h = (h - rm_ref[...]) * (g_ref[...] * lax.rsqrt(rv_ref[...] + 1e-5)) \
        + be_ref[...]
    h = jnp.maximum(h, 0.0)
    o_ref[...] = jnp.dot(h, w2_ref[...],
                         preferred_element_type=jnp.float32) + b2_ref[...]
  return pl.pallas_call(
      body,
      out_shape=jax.ShapeDtypeStruct((G, D), jnp.float32),
  )(pooled, W1, bl1, gamma, beta, rm, rv, W2p, bl2p)


def kernel(x, edge_index, batch, Wl1, Wr1, b1, Wl2, Wr2, b2, W1, bl1,
           gamma, beta, rm, rv, W2, bl2):
  src = edge_index[0]
  dst = edge_index[1]
  pad_e = EPAD - E
  src_p = jnp.concatenate([src, jnp.zeros((pad_e,), jnp.int32)])
  dst_p = jnp.concatenate([dst, jnp.full((pad_e,), N, jnp.int32)])
  x_pad = jnp.pad(x, ((0, NPAD - N), (0, 0)))
  batch3d = jnp.concatenate(
      [batch, jnp.full((NPAD - N,), G, jnp.int32)]).reshape(NPAD // RB, 1, RB)

  z2d = jnp.zeros((ROWS_PER_TILE, D), jnp.float32)
  z1d = jnp.zeros((NPAD,), jnp.float32)
  part1, degp = _make_sc_agg(True)(x_pad, src_p, dst_p, z2d, z1d)
  h = _combine(part1, degp, x_pad, Wl1, Wr1, b1.reshape(1, D))
  (part2,) = _make_sc_agg(False)(h, src_p, dst_p, z2d)
  pooled = _combine_pool(part2, degp, h, Wl2, Wr2, b2.reshape(1, D), batch3d)

  W2p = jnp.pad(W2, ((0, 0), (0, D - 2)))
  bl2p = jnp.pad(bl2, (0, D - 2)).reshape(1, D)
  out = _head(pooled, W1, bl1.reshape(1, D), gamma.reshape(1, D),
              beta.reshape(1, D), rm.reshape(1, D), rv.reshape(1, D),
              W2p, bl2p)
  return out[:, :2]

# --- scband reference (transcript-rebuilt; emitter-appended) ---
"""Pipeline reference for scband-sage-5927054868969 (READ-ONLY COPY).

The authoritative reference and input builder live on the scoring server;
editing this copy changes nothing except your own understanding.
"""

import jax, jax.numpy as jnp
import numpy as np

N = 10000
E = 320000
G = 64
D_IN = 128
D_H = 128
D_OUT = 128


def setup_inputs(seed: int = 0) -> dict:
    key = jax.random.key(seed)
    ks = jax.random.split(key, 20)
    x = jax.random.normal(ks[0], (N, D_IN), dtype=jnp.float32)
    edge_index = jax.random.randint(ks[1], (2, E), 0, N, dtype=jnp.int32)
    batch = jnp.sort(jax.random.randint(ks[2], (N,), 0, G, dtype=jnp.int32))
    s_in = 1.0 / np.sqrt(D_IN)
    s_h = 1.0 / np.sqrt(D_H)
    # SAGEConv1: lin_l (applied to aggregated neighbors, with bias) + lin_r (root, no bias)
    Wl1 = jax.random.normal(ks[3], (D_IN, D_H), dtype=jnp.float32) * s_in
    Wr1 = jax.random.normal(ks[4], (D_IN, D_H), dtype=jnp.float32) * s_in
    b1 = jnp.zeros((D_H,), dtype=jnp.float32)
    # SAGEConv2
    Wl2 = jax.random.normal(ks[5], (D_H, D_OUT), dtype=jnp.float32) * s_h
    Wr2 = jax.random.normal(ks[6], (D_H, D_OUT), dtype=jnp.float32) * s_h
    b2 = jnp.zeros((D_OUT,), dtype=jnp.float32)
    # lin1: hidden -> hidden
    W1 = jax.random.normal(ks[7], (D_OUT, D_H), dtype=jnp.float32) * s_h
    bl1 = jnp.zeros((D_H,), dtype=jnp.float32)
    # bn1 params (eval mode: running stats)
    gamma = jnp.ones((D_H,), dtype=jnp.float32)
    beta = jnp.zeros((D_H,), dtype=jnp.float32)
    rm = jnp.zeros((D_H,), dtype=jnp.float32)
    rv = jnp.ones((D_H,), dtype=jnp.float32)
    # lin2: hidden -> 2
    W2 = jax.random.normal(ks[8], (D_H, 2), dtype=jnp.float32) * s_h
    bl2 = jnp.zeros((2,), dtype=jnp.float32)
    return {"x": x, "edge_index": edge_index, "batch": batch,
            "Wl1": Wl1, "Wr1": Wr1, "b1": b1,
            "Wl2": Wl2, "Wr2": Wr2, "b2": b2,
            "W1": W1, "bl1": bl1,
            "gamma": gamma, "beta": beta, "rm": rm, "rv": rv,
            "W2": W2, "bl2": bl2}


def _sage_conv(x, edge_index, Wl, Wr, b):
    # PyG SAGEConv with mean aggregation:
    # out = lin_l(mean_{j in N(i)} x_j) + lin_r(x_i)
    src = edge_index[0]
    dst = edge_index[1]
    msg = jnp.take(x, src, axis=0)
    agg = jax.ops.segment_sum(msg, dst, num_segments=N)
    deg = jax.ops.segment_sum(jnp.ones((E,), dtype=jnp.float32), dst, num_segments=N)
    mean = agg / jnp.clip(deg, 1.0, None)[:, None]
    return mean @ Wl + b + x @ Wr


def reference(x, edge_index, batch, Wl1, Wr1, b1, Wl2, Wr2, b2, W1, bl1, gamma, beta, rm, rv, W2, bl2):
    h = _sage_conv(x, edge_index, Wl1, Wr1, b1)
    h = _sage_conv(h, edge_index, Wl2, Wr2, b2)
    # global_add_pool over graph ids
    h = jax.ops.segment_sum(h, batch, num_segments=G)
    h = h @ W1 + bl1
    # BatchNorm1d in eval mode (running stats)
    h = (h - rm) / jnp.sqrt(rv + 1e-5) * gamma + beta
    h = jax.nn.relu(h)
    h = h @ W2 + bl2
    # dropout is identity in eval mode
    return h

if __name__ == "__main__":
    import jax
    _d = setup_inputs()
    print(jax.jit(kernel)(*tuple(_d.values())))

</pallas_src>

<mosaic_0001>
#map = affine_map<(d0, d1) -> (0, 0)>
#map1 = affine_map<(d0, d1) -> (0)>
#map2 = affine_map<(d0, d1) -> (0, 0, 0)>
module attributes {stable_mosaic.version = 14 : i64} {
  func.func @body(%arg0: i32, %arg1: i32, %arg2: memref<10240x128xf32, #tpu.memory_space<hbm>>, %arg3: memref<323584xi32, #tpu.memory_space<hbm>>, %arg4: memref<323584xi32, #tpu.memory_space<hbm>>, %arg5: memref<640x128xf32, #tpu.memory_space<hbm>>, %arg6: memref<10240xf32, #tpu.memory_space<hbm>>, %arg7: memref<2x10240x128xf32, #tpu.memory_space<hbm>>, %arg8: memref<32x10240xf32, #tpu.memory_space<hbm>>, %arg9: memref<128xi32, #tpu.memory_space<vmem>>, %arg10: memref<128xi32, #tpu.memory_space<vmem>>, %arg11: memref<128x128xf32, #tpu.memory_space<vmem>>, %arg12: memref<10240x128xf32, #tpu.memory_space<vmem_shared>>, %arg13: memref<!tpu.dma_semaphore, #tpu.memory_space<semaphore_mem>>, %arg14: memref<10240xf32, #tpu.memory_space<vmem>>) attributes {dimension_semantics = [#tpu.dimension_semantics<core_parallel>, #tpu.dimension_semantics<subcore_parallel>], iteration_bounds = array<i64: 2, 16>, scalar_prefetch = 0 : i64, scratch_operands = 6 : i64, tpu.core_type = #tpu.core_type<sc_vector_subcore>, window_params = [{transform_indices = #map}, {transform_indices = #map1}, {transform_indices = #map1}, {transform_indices = #map}, {transform_indices = #map1}, {transform_indices = #map2}, {transform_indices = #map}]} {
    %mul3A = arith.constant 640 : i32
    %mul3A_0 = arith.muli %arg1, %mul3A : i32
    %mul3A_1 = arith.constant 2 : i32
    %mul3A_2 = arith.muli %arg1, %mul3A_1 : i32
    %add3A = arith.addi %mul3A_2, %arg0 : i32
    %eq3A = arith.constant 0 : i32
    %eq3A_3 = arith.cmpi eq, %arg0, %eq3A : i32
    %mul3A_4 = arith.constant 99 : i32
    %mul3A_5 = arith.muli %arg1, %mul3A_4 : i32
    %mul3A_6 = arith.constant 59 : i32
    %mul3A_7 = arith.muli %arg1, %mul3A_6 : i32
    %add3A_8 = arith.constant 1584 : i32
    %add3A_9 = arith.addi %add3A_8, %mul3A_7 : i32
    %select_n3A = arith.select %eq3A_3, %mul3A_5, %add3A_9 : i32
    %eq3A_10 = arith.constant 0 : i32
    %eq3A_11 = arith.cmpi eq, %arg0, %eq3A_10 : i32
    %jit3A = arith.constant 99 : i32
    %jit3A_12 = arith.constant 59 : i32
    %select_n3A_13 = arith.select %eq3A_11, %jit3A, %jit3A_12 : i32
    "tpu.region"() ({
      %run_scoped3A = tpu.sem_alloc : memref<!tpu.dma_semaphore, #tpu.memory_space<semaphore_mem>>
      %dma_start3A = arith.constant 0 : i32
      %dma_start3A_23 = tpu.memref_slice %arg12[%mul3A_0, %dma_start3A] : memref<10240x128xf32, #tpu.memory_space<vmem_shared>> -> memref<640x128xf32, #tpu.memory_space<vmem_shared>>
      tpu.enqueue_dma source(%arg5 : memref<640x128xf32, #tpu.memory_space<hbm>>) target(%dma_start3A_23 : memref<640x128xf32, #tpu.memory_space<vmem_shared>>) target_semaphore(%run_scoped3A : memref<!tpu.dma_semaphore, #tpu.memory_space<semaphore_mem>>)
      %dma_wait3A = arith.constant 0 : i32
      %dma_wait3A_24 = tpu.memref_slice %arg12[%mul3A_0, %dma_wait3A] : memref<10240x128xf32, #tpu.memory_space<vmem_shared>> -> memref<640x128xf32, #tpu.memory_space<vmem_shared>>
      tpu.wait_dma2 semaphore(%run_scoped3A : memref<!tpu.dma_semaphore, #tpu.memory_space<semaphore_mem>>) src(%arg5 : memref<640x128xf32, #tpu.memory_space<hbm>>) dst(%dma_wait3A_24 : memref<640x128xf32, #tpu.memory_space<vmem_shared>>)
      tpu.yield
    }) : () -> ()
    "tpu.region"() ({
      %run_scoped3A = tpu.sem_alloc : memref<!tpu.dma_semaphore, #tpu.memory_space<semaphore_mem>>
      tpu.enqueue_dma source(%arg6 : memref<10240xf32, #tpu.memory_space<hbm>>) target(%arg14 : memref<10240xf32, #tpu.memory_space<vmem>>) target_semaphore(%run_scoped3A : memref<!tpu.dma_semaphore, #tpu.memory_space<semaphore_mem>>)
      tpu.wait_dma2 semaphore(%run_scoped3A : memref<!tpu.dma_semaphore, #tpu.memory_space<semaphore_mem>>) src(%arg6 : memref<10240xf32, #tpu.memory_space<hbm>>) dst(%arg14 : memref<10240xf32, #tpu.memory_space<vmem>>)
      tpu.yield
    }) : () -> ()
    %barrier3A = arith.constant 0 : index
    tpu.barrier barrier_id(%barrier3A)
    %while3A = arith.constant 0 : i32
    %while3A_14 = arith.subi %select_n3A_13, %while3A : i32
    %while3A_15 = arith.addi %while3A, %while3A_14 : i32
    %while3A_16 = arith.constant 1 : i32
    %while3A_17 = arith.divsi %while3A_14, %while3A_16 : i32
    %while3A_18 = arith.muli %while3A_17, %while3A_16 : i32
    %while3A_19 = arith.addi %while3A, %while3A_18 : i32
    %while3A_20 = arith.constant 1 : i32
    scf.for %while3A_23 = %while3A to %while3A_19 step %while3A_20  : i32 {
      %add3A_24 = arith.addi %select_n3A, %while3A_23 : i32
      %mul3A_25 = arith.constant 128 : i32
      %mul3A_26 = arith.muli %add3A_24, %mul3A_25 : i32
      "tpu.region"() ({
        %run_scoped3A = tpu.sem_alloc : memref<!tpu.dma_semaphore, #tpu.memory_space<semaphore_mem>>
        %dma_start3A_83 = tpu.memref_slice %arg3[%mul3A_26] : memref<323584xi32, #tpu.memory_space<hbm>> -> memref<128xi32, #tpu.memory_space<hbm>>
        %dma_start3A_84 = tpu.memref_slice %arg3[%mul3A_26] : memref<323584xi32, #tpu.memory_space<hbm>> -> memref<128xi32, #tpu.memory_space<hbm>>
        tpu.enqueue_dma source(%dma_start3A_84 : memref<128xi32, #tpu.memory_space<hbm>>) target(%arg9 : memref<128xi32, #tpu.memory_space<vmem>>) target_semaphore(%run_scoped3A : memref<!tpu.dma_semaphore, #tpu.memory_space<semaphore_mem>>)
        %dma_wait3A_85 = tpu.memref_slice %arg3[%mul3A_26] : memref<323584xi32, #tpu.memory_space<hbm>> -> memref<128xi32, #tpu.memory_space<hbm>>
        %dma_wait3A_86 = tpu.memref_slice %arg3[%mul3A_26] : memref<323584xi32, #tpu.memory_space<hbm>> -> memref<128xi32, #tpu.memory_space<hbm>>
        tpu.wait_dma2 semaphore(%run_scoped3A : memref<!tpu.dma_semaphore, #tpu.memory_space<semaphore_mem>>) src(%dma_wait3A_86 : memref<128xi32, #tpu.memory_space<hbm>>) dst(%arg9 : memref<128xi32, #tpu.memory_space<vmem>>)
        tpu.yield
      }) : () -> ()
      "tpu.region"() ({
        %run_scoped3A = tpu.sem_alloc : memref<!tpu.dma_semaphore, #tpu.memory_space<semaphore_mem>>
        %dma_start3A_83 = tpu.memref_slice %arg4[%mul3A_26] : memref<323584xi32, #tpu.memory_space<hbm>> -> memref<128xi32, #tpu.memory_space<hbm>>
        %dma_start3A_84 = tpu.memref_slice %arg4[%mul3A_26] : memref<323584xi32, #tpu.memory_space<hbm>> -> memref<128xi32, #tpu.memory_space<hbm>>
        tpu.enqueue_dma source(%dma_start3A_84 : memref<128xi32, #tpu.memory_space<hbm>>) target(%arg10 : memref<128xi32, #tpu.memory_space<vmem>>) target_semaphore(%run_scoped3A : memref<!tpu.dma_semaphore, #tpu.memory_space<semaphore_mem>>)
        %dma_wait3A_85 = tpu.memref_slice %arg4[%mul3A_26] : memref<323584xi32, #tpu.memory_space<hbm>> -> memref<128xi32, #tpu.memory_space<hbm>>
        %dma_wait3A_86 = tpu.memref_slice %arg4[%mul3A_26] : memref<323584xi32, #tpu.memory_space<hbm>> -> memref<128xi32, #tpu.memory_space<hbm>>
        tpu.wait_dma2 semaphore(%run_scoped3A : memref<!tpu.dma_semaphore, #tpu.memory_space<semaphore_mem>>) src(%dma_wait3A_86 : memref<128xi32, #tpu.memory_space<hbm>>) dst(%arg10 : memref<128xi32, #tpu.memory_space<vmem>>)
        tpu.yield
      }) : () -> ()
      %dma_start3A = arith.constant 0 : i32
      %dma_start3A_27 = arith.constant 0 : i32
      %dma_start3A_28 = tpu.memref_slice %arg2[%dma_start3A, %dma_start3A_27] : memref<10240x128xf32, #tpu.memory_space<hbm>> -> memref<10240x128xf32, #tpu.memory_space<hbm>>
      tpu.enqueue_indirect_dma source(%dma_start3A_28 : memref<10240x128xf32, #tpu.memory_space<hbm>>) target(%arg11 : memref<128x128xf32, #tpu.memory_space<vmem>>) offsets(%arg9 : memref<128xi32, #tpu.memory_space<vmem>>) semaphore(%arg13 : memref<!tpu.dma_semaphore, #tpu.memory_space<semaphore_mem>>)
      %dma_wait3A = arith.constant 0 : i32
      %dma_wait3A_29 = arith.constant 0 : i32
      %dma_wait3A_30 = tpu.memref_slice %arg2[%dma_wait3A, %dma_wait3A_29] : memref<10240x128xf32, #tpu.memory_space<hbm>> -> memref<10240x128xf32, #tpu.memory_space<hbm>>
      tpu.wait_indirect_dma semaphore(%arg13 : memref<!tpu.dma_semaphore, #tpu.memory_space<semaphore_mem>>) src(%dma_wait3A_30 : memref<10240x128xf32, #tpu.memory_space<hbm>>) dst(%arg11 : memref<128x128xf32, #tpu.memory_space<vmem>>)
      "tpu.region"() ({
        %run_scoped3A = tpu.sem_alloc : memref<!tpu.dma_semaphore, #tpu.memory_space<semaphore_mem>>
        %dma_start3A_83 = arith.constant 0 : i32
        %dma_start3A_84 = arith.constant 0 : i32
        %dma_start3A_85 = tpu.memref_slice %arg12[%dma_start3A_83, %dma_start3A_84] : memref<10240x128xf32, #tpu.memory_space<vmem_shared>> -> memref<10240x128xf32, #tpu.memory_space<vmem_shared>>
        tpu.enqueue_indirect_dma source(%arg11 : memref<128x128xf32, #tpu.memory_space<vmem>>) target(%dma_start3A_85 : memref<10240x128xf32, #tpu.memory_space<vmem_shared>>) offsets(%arg10 : memref<128xi32, #tpu.memory_space<vmem>>) semaphore(%run_scoped3A : memref<!tpu.dma_semaphore, #tpu.memory_space<semaphore_mem>>) {add = true}
        %dma_wait3A_86 = arith.constant 0 : i32
        %dma_wait3A_87 = arith.constant 0 : i32
        %dma_wait3A_88 = tpu.memref_slice %arg12[%dma_wait3A_86, %dma_wait3A_87] : memref<10240x128xf32, #tpu.memory_space<vmem_shared>> -> memref<10240x128xf32, #tpu.memory_space<vmem_shared>>
        tpu.wait_indirect_dma semaphore(%run_scoped3A : memref<!tpu.dma_semaphore, #tpu.memory_space<semaphore_mem>>) src(%arg11 : memref<128x128xf32, #tpu.memory_space<vmem>>) dst(%dma_wait3A_88 : memref<10240x128xf32, #tpu.memory_space<vmem_shared>>)
        tpu.yield
      }) : () -> ()
      %get3A = arith.constant 0 : index
      %get3A_31 = tpu.vector_load %arg10[%get3A] {strides = array<i32>} : memref<128xi32, #tpu.memory_space<vmem>>, vector<16xi32>,
      %broadcast_in_dim3A = arith.constant true
      %broadcast_in_dim3A_32 = vector.broadcast %broadcast_in_dim3A : i1 to vector<16xi1>
      %unique3A, %unique3A_33 = tpu.scan_count mask(%broadcast_in_dim3A_32 : vector<16xi1>) value(%get3A_31 : vector<16xi32>) : vector<16xi1>, vector<16xi32>
      %convert_element_type3A = arith.sitofp %unique3A_33 : vector<16xi32> to vector<16xf32>
      tpu.vector_store_idx %arg14[%get3A_31], %convert_element_type3A masked %unique3A {add = true} : memref<10240xf32, #tpu.memory_space<vmem>>[vector<16xi32>], vector<16xf32>, vector<16xi1>
      %get3A_34 = arith.constant 16 : index
      %get3A_35 = tpu.vector_load %arg10[%get3A_34] {strides = array<i32>} : memref<128xi32, #tpu.memory_space<vmem>>, vector<16xi32>,
      %broadcast_in_dim3A_36 = arith.constant true
      %broadcast_in_dim3A_37 = vector.broadcast %broadcast_in_dim3A_36 : i1 to vector<16xi1>
      %unique3A_38, %unique3A_39 = tpu.scan_count mask(%broadcast_in_dim3A_37 : vector<16xi1>) value(%get3A_35 : vector<16xi32>) : vector<16xi1>, vector<16xi32>
      %convert_element_type3A_40 = arith.sitofp %unique3A_39 : vector<16xi32> to vector<16xf32>
      tpu.vector_store_idx %arg14[%get3A_35], %convert_element_type3A_40 masked %unique3A_38 {add = true} : memref<10240xf32, #tpu.memory_space<vmem>>[vector<16xi32>], vector<16xf32>, vector<16xi1>
      %get3A_41 = arith.constant 32 : index
      %get3A_42 = tpu.vector_load %arg10[%get3A_41] {strides = array<i32>} : memref<128xi32, #tpu.memory_space<vmem>>, vector<16xi32>,
      %broadcast_in_dim3A_43 = arith.constant true
      %broadcast_in_dim3A_44 = vector.broadcast %broadcast_in_dim3A_43 : i1 to vector<16xi1>
      %unique3A_45, %unique3A_46 = tpu.scan_count mask(%broadcast_in_dim3A_44 : vector<16xi1>) value(%get3A_42 : vector<16xi32>) : vector<16xi1>, vector<16xi32>
      %convert_element_type3A_47 = arith.sitofp %unique3A_46 : vector<16xi32> to vector<16xf32>
      tpu.vector_store_idx %arg14[%get3A_42], %convert_element_type3A_47 masked %unique3A_45 {add = true} : memref<10240xf32, #tpu.memory_space<vmem>>[vector<16xi32>], vector<16xf32>, vector<16xi1>
      %get3A_48 = arith.constant 48 : index
      %get3A_49 = tpu.vector_load %arg10[%get3A_48] {strides = array<i32>} : memref<128xi32, #tpu.memory_space<vmem>>, vector<16xi32>,
      %broadcast_in_dim3A_50 = arith.constant true
      %broadcast_in_dim3A_51 = vector.broadcast %broadcast_in_dim3A_50 : i1 to vector<16xi1>
      %unique3A_52, %unique3A_53 = tpu.scan_count mask(%broadcast_in_dim3A_51 : vector<16xi1>) value(%get3A_49 : vector<16xi32>) : vector<16xi1>, vector<16xi32>
      %convert_element_type3A_54 = arith.sitofp %unique3A_53 : vector<16xi32> to vector<16xf32>
      tpu.vector_store_idx %arg14[%get3A_49], %convert_element_type3A_54 masked %unique3A_52 {add = true} : memref<10240xf32, #tpu.memory_space<vmem>>[vector<16xi32>], vector<16xf32>, vector<16xi1>
      %get3A_55 = arith.constant 64 : index
      %get3A_56 = tpu.vector_load %arg10[%get3A_55] {strides = array<i32>} : memref<128xi32, #tpu.memory_space<vmem>>, vector<16xi32>,
      %broadcast_in_dim3A_57 = arith.constant true
      %broadcast_in_dim3A_58 = vector.broadcast %broadcast_in_dim3A_57 : i1 to vector<16xi1>
      %unique3A_59, %unique3A_60 = tpu.scan_count mask(%broadcast_in_dim3A_58 : vector<16xi1>) value(%get3A_56 : vector<16xi32>) : vector<16xi1>, vector<16xi32>
      %convert_element_type3A_61 = arith.sitofp %unique3A_60 : vector<16xi32> to vector<16xf32>
      tpu.vector_store_idx %arg14[%get3A_56], %convert_element_type3A_61 masked %unique3A_59 {add = true} : memref<10240xf32, #tpu.memory_space<vmem>>[vector<16xi32>], vector<16xf32>, vector<16xi1>
      %get3A_62 = arith.constant 80 : index
      %get3A_63 = tpu.vector_load %arg10[%get3A_62] {strides = array<i32>} : memref<128xi32, #tpu.memory_space<vmem>>, vector<16xi32>,
      %broadcast_in_dim3A_64 = arith.constant true
      %broadcast_in_dim3A_65 = vector.broadcast %broadcast_in_dim3A_64 : i1 to vector<16xi1>
      %unique3A_66, %unique3A_67 = tpu.scan_count mask(%broadcast_in_dim3A_65 : vector<16xi1>) value(%get3A_63 : vector<16xi32>) : vector<16xi1>, vector<16xi32>
      %convert_element_type3A_68 = arith.sitofp %unique3A_67 : vector<16xi32> to vector<16xf32>
      tpu.vector_store_idx %arg14[%get3A_63], %convert_element_type3A_68 masked %unique3A_66 {add = true} : memref<10240xf32, #tpu.memory_space<vmem>>[vector<16xi32>], vector<16xf32>, vector<16xi1>
      %get3A_69 = arith.constant 96 : index
      %get3A_70 = tpu.vector_load %arg10[%get3A_69] {strides = array<i32>} : memref<128xi32, #tpu.memory_space<vmem>>, vector<16xi32>,
      %broadcast_in_dim3A_71 = arith.constant true
      %broadcast_in_dim3A_72 = vector.broadcast %broadcast_in_dim3A_71 : i1 to vector<16xi1>
      %unique3A_73, %unique3A_74 = tpu.scan_count mask(%broadcast_in_dim3A_72 : vector<16xi1>) value(%get3A_70 : vector<16xi32>) : vector<16xi1>, vector<16xi32>
      %convert_element_type3A_75 = arith.sitofp %unique3A_74 : vector<16xi32> to vector<16xf32>
      tpu.vector_store_idx %arg14[%get3A_70], %convert_element_type3A_75 masked %unique3A_73 {add = true} : memref<10240xf32, #tpu.memory_space<vmem>>[vector<16xi32>], vector<16xf32>, vector<16xi1>
      %get3A_76 = arith.constant 112 : index
      %get3A_77 = tpu.vector_load %arg10[%get3A_76] {strides = array<i32>} : memref<128xi32, #tpu.memory_space<vmem>>, vector<16xi32>,
      %broadcast_in_dim3A_78 = arith.constant true
      %broadcast_in_dim3A_79 = vector.broadcast %broadcast_in_dim3A_78 : i1 to vector<16xi1>
      %unique3A_80, %unique3A_81 = tpu.scan_count mask(%broadcast_in_dim3A_79 : vector<16xi1>) value(%get3A_77 : vector<16xi32>) : vector<16xi1>, vector<16xi32>
      %convert_element_type3A_82 = arith.sitofp %unique3A_81 : vector<16xi32> to vector<16xf32>
      tpu.vector_store_idx %arg14[%get3A_77], %convert_element_type3A_82 masked %unique3A_80 {add = true} : memref<10240xf32, #tpu.memory_space<vmem>>[vector<16xi32>], vector<16xf32>, vector<16xi1>
    }
    %while3A_21 = arith.constant 1 : i32
    scf.for %while3A_23 = %while3A_19 to %while3A_15 step %while3A_21  : i32 {
      %add3A_24 = arith.addi %select_n3A, %while3A_23 : i32
      %mul3A_25 = arith.constant 128 : i32
      %mul3A_26 = arith.muli %add3A_24, %mul3A_25 : i32
      "tpu.region"() ({
        %run_scoped3A = tpu.sem_alloc : memref<!tpu.dma_semaphore, #tpu.memory_space<semaphore_mem>>
        %dma_start3A_83 = tpu.memref_slice %arg3[%mul3A_26] : memref<323584xi32, #tpu.memory_space<hbm>> -> memref<128xi32, #tpu.memory_space<hbm>>
        %dma_start3A_84 = tpu.memref_slice %arg3[%mul3A_26] : memref<323584xi32, #tpu.memory_space<hbm>> -> memref<128xi32, #tpu.memory_space<hbm>>
        tpu.enqueue_dma source(%dma_start3A_84 : memref<128xi32, #tpu.memory_space<hbm>>) target(%arg9 : memref<128xi32, #tpu.memory_space<vmem>>) target_semaphore(%run_scoped3A : memref<!tpu.dma_semaphore, #tpu.memory_space<semaphore_mem>>)
        %dma_wait3A_85 = tpu.memref_slice %arg3[%mul3A_26] : memref<323584xi32, #tpu.memory_space<hbm>> -> memref<128xi32, #tpu.memory_space<hbm>>
        %dma_wait3A_86 = tpu.memref_slice %arg3[%mul3A_26] : memref<323584xi32, #tpu.memory_space<hbm>> -> memref<128xi32, #tpu.memory_space<hbm>>
        tpu.wait_dma2 semaphore(%run_scoped3A : memref<!tpu.dma_semaphore, #tpu.memory_space<semaphore_mem>>) src(%dma_wait3A_86 : memref<128xi32, #tpu.memory_space<hbm>>) dst(%arg9 : memref<128xi32, #tpu.memory_space<vmem>>)
        tpu.yield
      }) : () -> ()
      "tpu.region"() ({
        %run_scoped3A = tpu.sem_alloc : memref<!tpu.dma_semaphore, #tpu.memory_space<semaphore_mem>>
        %dma_start3A_83 = tpu.memref_slice %arg4[%mul3A_26] : memref<323584xi32, #tpu.memory_space<hbm>> -> memref<128xi32, #tpu.memory_space<hbm>>
        %dma_start3A_84 = tpu.memref_slice %arg4[%mul3A_26] : memref<323584xi32, #tpu.memory_space<hbm>> -> memref<128xi32, #tpu.memory_space<hbm>>
        tpu.enqueue_dma source(%dma_start3A_84 : memref<128xi32, #tpu.memory_space<hbm>>) target(%arg10 : memref<128xi32, #tpu.memory_space<vmem>>) target_semaphore(%run_scoped3A : memref<!tpu.dma_semaphore, #tpu.memory_space<semaphore_mem>>)
        %dma_wait3A_85 = tpu.memref_slice %arg4[%mul3A_26] : memref<323584xi32, #tpu.memory_space<hbm>> -> memref<128xi32, #tpu.memory_space<hbm>>
        %dma_wait3A_86 = tpu.memref_slice %arg4[%mul3A_26] : memref<323584xi32, #tpu.memory_space<hbm>> -> memref<128xi32, #tpu.memory_space<hbm>>
        tpu.wait_dma2 semaphore(%run_scoped3A : memref<!tpu.dma_semaphore, #tpu.memory_space<semaphore_mem>>) src(%dma_wait3A_86 : memref<128xi32, #tpu.memory_space<hbm>>) dst(%arg10 : memref<128xi32, #tpu.memory_space<vmem>>)
        tpu.yield
      }) : () -> ()
      %dma_start3A = arith.constant 0 : i32
      %dma_start3A_27 = arith.constant 0 : i32
      %dma_start3A_28 = tpu.memref_slice %arg2[%dma_start3A, %dma_start3A_27] : memref<10240x128xf32, #tpu.memory_space<hbm>> -> memref<10240x128xf32, #tpu.memory_space<hbm>>
      tpu.enqueue_indirect_dma source(%dma_start3A_28 : memref<10240x128xf32, #tpu.memory_space<hbm>>) target(%arg11 : memref<128x128xf32, #tpu.memory_space<vmem>>) offsets(%arg9 : memref<128xi32, #tpu.memory_space<vmem>>) semaphore(%arg13 : memref<!tpu.dma_semaphore, #tpu.memory_space<semaphore_mem>>)
      %dma_wait3A = arith.constant 0 : i32
      %dma_wait3A_29 = arith.constant 0 : i32
      %dma_wait3A_30 = tpu.memref_slice %arg2[%dma_wait3A, %dma_wait3A_29] : memref<10240x128xf32, #tpu.memory_space<hbm>> -> memref<10240x128xf32, #tpu.memory_space<hbm>>
      tpu.wait_indirect_dma semaphore(%arg13 : memref<!tpu.dma_semaphore, #tpu.memory_space<semaphore_mem>>) src(%dma_wait3A_30 : memref<10240x128xf32, #tpu.memory_space<hbm>>) dst(%arg11 : memref<128x128xf32, #tpu.memory_space<vmem>>)
      "tpu.region"() ({
        %run_scoped3A = tpu.sem_alloc : memref<!tpu.dma_semaphore, #tpu.memory_space<semaphore_mem>>
        %dma_start3A_83 = arith.constant 0 : i32
        %dma_start3A_84 = arith.constant 0 : i32
        %dma_start3A_85 = tpu.memref_slice %arg12[%dma_start3A_83, %dma_start3A_84] : memref<10240x128xf32, #tpu.memory_space<vmem_shared>> -> memref<10240x128xf32, #tpu.memory_space<vmem_shared>>
        tpu.enqueue_indirect_dma source(%arg11 : memref<128x128xf32, #tpu.memory_space<vmem>>) target(%dma_start3A_85 : memref<10240x128xf32, #tpu.memory_space<vmem_shared>>) offsets(%arg10 : memref<128xi32, #tpu.memory_space<vmem>>) semaphore(%run_scoped3A : memref<!tpu.dma_semaphore, #tpu.memory_space<semaphore_mem>>) {add = true}
        %dma_wait3A_86 = arith.constant 0 : i32
        %dma_wait3A_87 = arith.constant 0 : i32
        %dma_wait3A_88 = tpu.memref_slice %arg12[%dma_wait3A_86, %dma_wait3A_87] : memref<10240x128xf32, #tpu.memory_space<vmem_shared>> -> memref<10240x128xf32, #tpu.memory_space<vmem_shared>>
        tpu.wait_indirect_dma semaphore(%run_scoped3A : memref<!tpu.dma_semaphore, #tpu.memory_space<semaphore_mem>>) src(%arg11 : memref<128x128xf32, #tpu.memory_space<vmem>>) dst(%dma_wait3A_88 : memref<10240x128xf32, #tpu.memory_space<vmem_shared>>)
        tpu.yield
      }) : () -> ()
      %get3A = arith.constant 0 : index
      %get3A_31 = tpu.vector_load %arg10[%get3A] {strides = array<i32>} : memref<128xi32, #tpu.memory_space<vmem>>, vector<16xi32>,
      %broadcast_in_dim3A = arith.constant true
      %broadcast_in_dim3A_32 = vector.broadcast %broadcast_in_dim3A : i1 to vector<16xi1>
      %unique3A, %unique3A_33 = tpu.scan_count mask(%broadcast_in_dim3A_32 : vector<16xi1>) value(%get3A_31 : vector<16xi32>) : vector<16xi1>, vector<16xi32>
      %convert_element_type3A = arith.sitofp %unique3A_33 : vector<16xi32> to vector<16xf32>
      tpu.vector_store_idx %arg14[%get3A_31], %convert_element_type3A masked %unique3A {add = true} : memref<10240xf32, #tpu.memory_space<vmem>>[vector<16xi32>], vector<16xf32>, vector<16xi1>
      %get3A_34 = arith.constant 16 : index
      %get3A_35 = tpu.vector_load %arg10[%get3A_34] {strides = array<i32>} : memref<128xi32, #tpu.memory_space<vmem>>, vector<16xi32>,
      %broadcast_in_dim3A_36 = arith.constant true
      %broadcast_in_dim3A_37 = vector.broadcast %broadcast_in_dim3A_36 : i1 to vector<16xi1>
      %unique3A_38, %unique3A_39 = tpu.scan_count mask(%broadcast_in_dim3A_37 : vector<16xi1>) value(%get3A_35 : vector<16xi32>) : vector<16xi1>, vector<16xi32>
      %convert_element_type3A_40 = arith.sitofp %unique3A_39 : vector<16xi32> to vector<16xf32>
      tpu.vector_store_idx %arg14[%get3A_35], %convert_element_type3A_40 masked %unique3A_38 {add = true} : memref<10240xf32, #tpu.memory_space<vmem>>[vector<16xi32>], vector<16xf32>, vector<16xi1>
      %get3A_41 = arith.constant 32 : index
      %get3A_42 = tpu.vector_load %arg10[%get3A_41] {strides = array<i32>} : memref<128xi32, #tpu.memory_space<vmem>>, vector<16xi32>,
      %broadcast_in_dim3A_43 = arith.constant true
      %broadcast_in_dim3A_44 = vector.broadcast %broadcast_in_dim3A_43 : i1 to vector<16xi1>
      %unique3A_45, %unique3A_46 = tpu.scan_count mask(%broadcast_in_dim3A_44 : vector<16xi1>) value(%get3A_42 : vector<16xi32>) : vector<16xi1>, vector<16xi32>
      %convert_element_type3A_47 = arith.sitofp %unique3A_46 : vector<16xi32> to vector<16xf32>
      tpu.vector_store_idx %arg14[%get3A_42], %convert_element_type3A_47 masked %unique3A_45 {add = true} : memref<10240xf32, #tpu.memory_space<vmem>>[vector<16xi32>], vector<16xf32>, vector<16xi1>
      %get3A_48 = arith.constant 48 : index
      %get3A_49 = tpu.vector_load %arg10[%get3A_48] {strides = array<i32>} : memref<128xi32, #tpu.memory_space<vmem>>, vector<16xi32>,
      %broadcast_in_dim3A_50 = arith.constant true
      %broadcast_in_dim3A_51 = vector.broadcast %broadcast_in_dim3A_50 : i1 to vector<16xi1>
      %unique3A_52, %unique3A_53 = tpu.scan_count mask(%broadcast_in_dim3A_51 : vector<16xi1>) value(%get3A_49 : vector<16xi32>) : vector<16xi1>, vector<16xi32>
      %convert_element_type3A_54 = arith.sitofp %unique3A_53 : vector<16xi32> to vector<16xf32>
      tpu.vector_store_idx %arg14[%get3A_49], %convert_element_type3A_54 masked %unique3A_52 {add = true} : memref<10240xf32, #tpu.memory_space<vmem>>[vector<16xi32>], vector<16xf32>, vector<16xi1>
      %get3A_55 = arith.constant 64 : index
      %get3A_56 = tpu.vector_load %arg10[%get3A_55] {strides = array<i32>} : memref<128xi32, #tpu.memory_space<vmem>>, vector<16xi32>,
      %broadcast_in_dim3A_57 = arith.constant true
      %broadcast_in_dim3A_58 = vector.broadcast %broadcast_in_dim3A_57 : i1 to vector<16xi1>
      %unique3A_59, %unique3A_60 = tpu.scan_count mask(%broadcast_in_dim3A_58 : vector<16xi1>) value(%get3A_56 : vector<16xi32>) : vector<16xi1>, vector<16xi32>
      %convert_element_type3A_61 = arith.sitofp %unique3A_60 : vector<16xi32> to vector<16xf32>
      tpu.vector_store_idx %arg14[%get3A_56], %convert_element_type3A_61 masked %unique3A_59 {add = true} : memref<10240xf32, #tpu.memory_space<vmem>>[vector<16xi32>], vector<16xf32>, vector<16xi1>
      %get3A_62 = arith.constant 80 : index
      %get3A_63 = tpu.vector_load %arg10[%get3A_62] {strides = array<i32>} : memref<128xi32, #tpu.memory_space<vmem>>, vector<16xi32>,
      %broadcast_in_dim3A_64 = arith.constant true
      %broadcast_in_dim3A_65 = vector.broadcast %broadcast_in_dim3A_64 : i1 to vector<16xi1>
      %unique3A_66, %unique3A_67 = tpu.scan_count mask(%broadcast_in_dim3A_65 : vector<16xi1>) value(%get3A_63 : vector<16xi32>) : vector<16xi1>, vector<16xi32>
      %convert_element_type3A_68 = arith.sitofp %unique3A_67 : vector<16xi32> to vector<16xf32>
      tpu.vector_store_idx %arg14[%get3A_63], %convert_element_type3A_68 masked %unique3A_66 {add = true} : memref<10240xf32, #tpu.memory_space<vmem>>[vector<16xi32>], vector<16xf32>, vector<16xi1>
      %get3A_69 = arith.constant 96 : index
      %get3A_70 = tpu.vector_load %arg10[%get3A_69] {strides = array<i32>} : memref<128xi32, #tpu.memory_space<vmem>>, vector<16xi32>,
      %broadcast_in_dim3A_71 = arith.constant true
      %broadcast_in_dim3A_72 = vector.broadcast %broadcast_in_dim3A_71 : i1 to vector<16xi1>
      %unique3A_73, %unique3A_74 = tpu.scan_count mask(%broadcast_in_dim3A_72 : vector<16xi1>) value(%get3A_70 : vector<16xi32>) : vector<16xi1>, vector<16xi32>
      %convert_element_type3A_75 = arith.sitofp %unique3A_74 : vector<16xi32> to vector<16xf32>
      tpu.vector_store_idx %arg14[%get3A_70], %convert_element_type3A_75 masked %unique3A_73 {add = true} : memref<10240xf32, #tpu.memory_space<vmem>>[vector<16xi32>], vector<16xf32>, vector<16xi1>
      %get3A_76 = arith.constant 112 : index
      %get3A_77 = tpu.vector_load %arg10[%get3A_76] {strides = array<i32>} : memref<128xi32, #tpu.memory_space<vmem>>, vector<16xi32>,
      %broadcast_in_dim3A_78 = arith.constant true
      %broadcast_in_dim3A_79 = vector.broadcast %broadcast_in_dim3A_78 : i1 to vector<16xi1>
      %unique3A_80, %unique3A_81 = tpu.scan_count mask(%broadcast_in_dim3A_79 : vector<16xi1>) value(%get3A_77 : vector<16xi32>) : vector<16xi1>, vector<16xi32>
      %convert_element_type3A_82 = arith.sitofp %unique3A_81 : vector<16xi32> to vector<16xf32>
      tpu.vector_store_idx %arg14[%get3A_77], %convert_element_type3A_82 masked %unique3A_80 {add = true} : memref<10240xf32, #tpu.memory_space<vmem>>[vector<16xi32>], vector<16xf32>, vector<16xi1>
    }
    %barrier3A_22 = arith.constant 0 : index
    tpu.barrier barrier_id(%barrier3A_22)
    "tpu.region"() ({
      %run_scoped3A = tpu.sem_alloc : memref<!tpu.dma_semaphore, #tpu.memory_space<semaphore_mem>>
      %dma_start3A = arith.constant 0 : i32
      %dma_start3A_23 = arith.constant 0 : i32
      %dma_start3A_24 = tpu.memref_slice %arg7[%arg0, %dma_start3A, %dma_start3A_23] : memref<2x10240x128xf32, #tpu.memory_space<hbm>> -> memref<1x10240x128xf32, #tpu.memory_space<hbm>>
      %dma_start3A_25 = tpu.memref_squeeze %dma_start3A_24 : memref<1x10240x128xf32, #tpu.memory_space<hbm>> -> memref<10240x128xf32, #tpu.memory_space<hbm>>
      %dma_start3A_26 = arith.constant 0 : i32
      %dma_start3A_27 = tpu.memref_slice %dma_start3A_25[%mul3A_0, %dma_start3A_26] : memref<10240x128xf32, #tpu.memory_space<hbm>> -> memref<640x128xf32, #tpu.memory_space<hbm>>
      %dma_start3A_28 = arith.constant 0 : i32
      %dma_start3A_29 = tpu.memref_slice %arg12[%mul3A_0, %dma_start3A_28] : memref<10240x128xf32, #tpu.memory_space<vmem_shared>> -> memref<640x128xf32, #tpu.memory_space<vmem_shared>>
      tpu.enqueue_dma source(%dma_start3A_29 : memref<640x128xf32, #tpu.memory_space<vmem_shared>>) target(%dma_start3A_27 : memref<640x128xf32, #tpu.memory_space<hbm>>) target_semaphore(%run_scoped3A : memref<!tpu.dma_semaphore, #tpu.memory_space<semaphore_mem>>)
      %dma_wait3A = arith.constant 0 : i32
      %dma_wait3A_30 = arith.constant 0 : i32
      %dma_wait3A_31 = tpu.memref_slice %arg7[%arg0, %dma_wait3A, %dma_wait3A_30] : memref<2x10240x128xf32, #tpu.memory_space<hbm>> -> memref<1x10240x128xf32, #tpu.memory_space<hbm>>
      %dma_wait3A_32 = tpu.memref_squeeze %dma_wait3A_31 : memref<1x10240x128xf32, #tpu.memory_space<hbm>> -> memref<10240x128xf32, #tpu.memory_space<hbm>>
      %dma_wait3A_33 = arith.constant 0 : i32
      %dma_wait3A_34 = tpu.memref_slice %dma_wait3A_32[%mul3A_0, %dma_wait3A_33] : memref<10240x128xf32, #tpu.memory_space<hbm>> -> memref<640x128xf32, #tpu.memory_space<hbm>>
      %dma_wait3A_35 = arith.constant 0 : i32
      %dma_wait3A_36 = tpu.memref_slice %arg12[%mul3A_0, %dma_wait3A_35] : memref<10240x128xf32, #tpu.memory_space<vmem_shared>> -> memref<640x128xf32, #tpu.memory_space<vmem_shared>>
      tpu.wait_dma2 semaphore(%run_scoped3A : memref<!tpu.dma_semaphore, #tpu.memory_space<semaphore_mem>>) src(%dma_wait3A_36 : memref<640x128xf32, #tpu.memory_space<vmem_shared>>) dst(%dma_wait3A_34 : memref<640x128xf32, #tpu.memory_space<hbm>>)
      tpu.yield
    }) : () -> ()
    "tpu.region"() ({
      %run_scoped3A = tpu.sem_alloc : memref<!tpu.dma_semaphore, #tpu.memory_space<semaphore_mem>>
      %dma_start3A = arith.constant 0 : i32
      %dma_start3A_23 = tpu.memref_slice %arg8[%add3A, %dma_start3A] : memref<32x10240xf32, #tpu.memory_space<hbm>> -> memref<1x10240xf32, #tpu.memory_space<hbm>>
      %dma_start3A_24 = tpu.memref_squeeze %dma_start3A_23 : memref<1x10240xf32, #tpu.memory_space<hbm>> -> memref<10240xf32, #tpu.memory_space<hbm>>
      %dma_start3A_25 = arith.constant 0 : i32
      %dma_start3A_26 = tpu.memref_slice %arg8[%add3A, %dma_start3A_25] : memref<32x10240xf32, #tpu.memory_space<hbm>> -> memref<1x10240xf32, #tpu.memory_space<hbm>>
      %dma_start3A_27 = tpu.memref_squeeze %dma_start3A_26 : memref<1x10240xf32, #tpu.memory_space<hbm>> -> memref<10240xf32, #tpu.memory_space<hbm>>
      tpu.enqueue_dma source(%arg14 : memref<10240xf32, #tpu.memory_space<vmem>>) target(%dma_start3A_27 : memref<10240xf32, #tpu.memory_space<hbm>>) target_semaphore(%run_scoped3A : memref<!tpu.dma_semaphore, #tpu.memory_space<semaphore_mem>>)
      %dma_wait3A = arith.constant 0 : i32
      %dma_wait3A_28 = tpu.memref_slice %arg8[%add3A, %dma_wait3A] : memref<32x10240xf32, #tpu.memory_space<hbm>> -> memref<1x10240xf32, #tpu.memory_space<hbm>>
      %dma_wait3A_29 = tpu.memref_squeeze %dma_wait3A_28 : memref<1x10240xf32, #tpu.memory_space<hbm>> -> memref<10240xf32, #tpu.memory_space<hbm>>
      %dma_wait3A_30 = arith.constant 0 : i32
      %dma_wait3A_31 = tpu.memref_slice %arg8[%add3A, %dma_wait3A_30] : memref<32x10240xf32, #tpu.memory_space<hbm>> -> memref<1x10240xf32, #tpu.memory_space<hbm>>
      %dma_wait3A_32 = tpu.memref_squeeze %dma_wait3A_31 : memref<1x10240xf32, #tpu.memory_space<hbm>> -> memref<10240xf32, #tpu.memory_space<hbm>>
      tpu.wait_dma2 semaphore(%run_scoped3A : memref<!tpu.dma_semaphore, #tpu.memory_space<semaphore_mem>>) src(%arg14 : memref<10240xf32, #tpu.memory_space<vmem>>) dst(%dma_wait3A_32 : memref<10240xf32, #tpu.memory_space<hbm>>)
      tpu.yield
    }) : () -> ()
    return
  }
}

#map = affine_map<(d0, d1) -> (0, 0)>
#map1 = affine_map<(d0, d1) -> (0)>
#map2 = affine_map<(d0, d1) -> (0, 0, 0)>
module attributes {stable_mosaic.version = 14 : i64} {
  func.func @body(%arg0: i32, %arg1: i32, %arg2: memref<10240x128xf32, #tpu.memory_space<hbm>>, %arg3: memref<323584xi32, #tpu.memory_space<hbm>>, %arg4: memref<323584xi32, #tpu.memory_space<hbm>>, %arg5: memref<640x128xf32, #tpu.memory_space<hbm>>, %arg6: memref<2x10240x128xf32, #tpu.memory_space<hbm>>, %arg7: memref<128xi32, #tpu.memory_space<vmem>>, %arg8: memref<128xi32, #tpu.memory_space<vmem>>, %arg9: memref<128x128xf32, #tpu.memory_space<vmem>>, %arg10: memref<10240x128xf32, #tpu.memory_space<vmem_shared>>, %arg11: memref<!tpu.dma_semaphore, #tpu.memory_space<semaphore_mem>>) attributes {dimension_semantics = [#tpu.dimension_semantics<core_parallel>, #tpu.dimension_semantics<subcore_parallel>], iteration_bounds = array<i64: 2, 16>, scalar_prefetch = 0 : i64, scratch_operands = 5 : i64, tpu.core_type = #tpu.core_type<sc_vector_subcore>, window_params = [{transform_indices = #map}, {transform_indices = #map1}, {transform_indices = #map1}, {transform_indices = #map}, {transform_indices = #map2}]} {
    %mul3A = arith.constant 640 : i32
    %mul3A_0 = arith.muli %arg1, %mul3A : i32
    %mul3A_1 = arith.constant 2 : i32
    %mul3A_2 = arith.muli %arg1, %mul3A_1 : i32
    %add3A = arith.addi %mul3A_2, %arg0 : i32
    %eq3A = arith.constant 0 : i32
    %eq3A_3 = arith.cmpi eq, %arg0, %eq3A : i32
    %mul3A_4 = arith.constant 99 : i32
    %mul3A_5 = arith.muli %arg1, %mul3A_4 : i32
    %mul3A_6 = arith.constant 59 : i32
    %mul3A_7 = arith.muli %arg1, %mul3A_6 : i32
    %add3A_8 = arith.constant 1584 : i32
    %add3A_9 = arith.addi %add3A_8, %mul3A_7 : i32
    %select_n3A = arith.select %eq3A_3, %mul3A_5, %add3A_9 : i32
    %eq3A_10 = arith.constant 0 : i32
    %eq3A_11 = arith.cmpi eq, %arg0, %eq3A_10 : i32
    %jit3A = arith.constant 99 : i32
    %jit3A_12 = arith.constant 59 : i32
    %select_n3A_13 = arith.select %eq3A_11, %jit3A, %jit3A_12 : i32
    "tpu.region"() ({
      %run_scoped3A = tpu.sem_alloc : memref<!tpu.dma_semaphore, #tpu.memory_space<semaphore_mem>>
      %dma_start3A = arith.constant 0 : i32
      %dma_start3A_23 = tpu.memref_slice %arg10[%mul3A_0, %dma_start3A] : memref<10240x128xf32, #tpu.memory_space<vmem_shared>> -> memref<640x128xf32, #tpu.memory_space<vmem_shared>>
      tpu.enqueue_dma source(%arg5 : memref<640x128xf32, #tpu.memory_space<hbm>>) target(%dma_start3A_23 : memref<640x128xf32, #tpu.memory_space<vmem_shared>>) target_semaphore(%run_scoped3A : memref<!tpu.dma_semaphore, #tpu.memory_space<semaphore_mem>>)
      %dma_wait3A = arith.constant 0 : i32
      %dma_wait3A_24 = tpu.memref_slice %arg10[%mul3A_0, %dma_wait3A] : memref<10240x128xf32, #tpu.memory_space<vmem_shared>> -> memref<640x128xf32, #tpu.memory_space<vmem_shared>>
      tpu.wait_dma2 semaphore(%run_scoped3A : memref<!tpu.dma_semaphore, #tpu.memory_space<semaphore_mem>>) src(%arg5 : memref<640x128xf32, #tpu.memory_space<hbm>>) dst(%dma_wait3A_24 : memref<640x128xf32, #tpu.memory_space<vmem_shared>>)
      tpu.yield
    }) : () -> ()
    %barrier3A = arith.constant 0 : index
    tpu.barrier barrier_id(%barrier3A)
    %while3A = arith.constant 0 : i32
    %while3A_14 = arith.subi %select_n3A_13, %while3A : i32
    %while3A_15 = arith.addi %while3A, %while3A_14 : i32
    %while3A_16 = arith.constant 1 : i32
    %while3A_17 = arith.divsi %while3A_14, %while3A_16 : i32
    %while3A_18 = arith.muli %while3A_17, %while3A_16 : i32
    %while3A_19 = arith.addi %while3A, %while3A_18 : i32
    %while3A_20 = arith.constant 1 : i32
    scf.for %while3A_23 = %while3A to %while3A_19 step %while3A_20  : i32 {
      %add3A_24 = arith.addi %select_n3A, %while3A_23 : i32
      %mul3A_25 = arith.constant 128 : i32
      %mul3A_26 = arith.muli %add3A_24, %mul3A_25 : i32
      "tpu.region"() ({
        %run_scoped3A = tpu.sem_alloc : memref<!tpu.dma_semaphore, #tpu.memory_space<semaphore_mem>>
        %dma_start3A_31 = tpu.memref_slice %arg3[%mul3A_26] : memref<323584xi32, #tpu.memory_space<hbm>> -> memref<128xi32, #tpu.memory_space<hbm>>
        %dma_start3A_32 = tpu.memref_slice %arg3[%mul3A_26] : memref<323584xi32, #tpu.memory_space<hbm>> -> memref<128xi32, #tpu.memory_space<hbm>>
        tpu.enqueue_dma source(%dma_start3A_32 : memref<128xi32, #tpu.memory_space<hbm>>) target(%arg7 : memref<128xi32, #tpu.memory_space<vmem>>) target_semaphore(%run_scoped3A : memref<!tpu.dma_semaphore, #tpu.memory_space<semaphore_mem>>)
        %dma_wait3A_33 = tpu.memref_slice %arg3[%mul3A_26] : memref<323584xi32, #tpu.memory_space<hbm>> -> memref<128xi32, #tpu.memory_space<hbm>>
        %dma_wait3A_34 = tpu.memref_slice %arg3[%mul3A_26] : memref<323584xi32, #tpu.memory_space<hbm>> -> memref<128xi32, #tpu.memory_space<hbm>>
        tpu.wait_dma2 semaphore(%run_scoped3A : memref<!tpu.dma_semaphore, #tpu.memory_space<semaphore_mem>>) src(%dma_wait3A_34 : memref<128xi32, #tpu.memory_space<hbm>>) dst(%arg7 : memref<128xi32, #tpu.memory_space<vmem>>)
        tpu.yield
      }) : () -> ()
      "tpu.region"() ({
        %run_scoped3A = tpu.sem_alloc : memref<!tpu.dma_semaphore, #tpu.memory_space<semaphore_mem>>
        %dma_start3A_31 = tpu.memref_slice %arg4[%mul3A_26] : memref<323584xi32, #tpu.memory_space<hbm>> -> memref<128xi32, #tpu.memory_space<hbm>>
        %dma_start3A_32 = tpu.memref_slice %arg4[%mul3A_26] : memref<323584xi32, #tpu.memory_space<hbm>> -> memref<128xi32, #tpu.memory_space<hbm>>
        tpu.enqueue_dma source(%dma_start3A_32 : memref<128xi32, #tpu.memory_space<hbm>>) target(%arg8 : memref<128xi32, #tpu.memory_space<vmem>>) target_semaphore(%run_scoped3A : memref<!tpu.dma_semaphore, #tpu.memory_space<semaphore_mem>>)
        %dma_wait3A_33 = tpu.memref_slice %arg4[%mul3A_26] : memref<323584xi32, #tpu.memory_space<hbm>> -> memref<128xi32, #tpu.memory_space<hbm>>
        %dma_wait3A_34 = tpu.memref_slice %arg4[%mul3A_26] : memref<323584xi32, #tpu.memory_space<hbm>> -> memref<128xi32, #tpu.memory_space<hbm>>
        tpu.wait_dma2 semaphore(%run_scoped3A : memref<!tpu.dma_semaphore, #tpu.memory_space<semaphore_mem>>) src(%dma_wait3A_34 : memref<128xi32, #tpu.memory_space<hbm>>) dst(%arg8 : memref<128xi32, #tpu.memory_space<vmem>>)
        tpu.yield
      }) : () -> ()
      %dma_start3A = arith.constant 0 : i32
      %dma_start3A_27 = arith.constant 0 : i32
      %dma_start3A_28 = tpu.memref_slice %arg2[%dma_start3A, %dma_start3A_27] : memref<10240x128xf32, #tpu.memory_space<hbm>> -> memref<10240x128xf32, #tpu.memory_space<hbm>>
      tpu.enqueue_indirect_dma source(%dma_start3A_28 : memref<10240x128xf32, #tpu.memory_space<hbm>>) target(%arg9 : memref<128x128xf32, #tpu.memory_space<vmem>>) offsets(%arg7 : memref<128xi32, #tpu.memory_space<vmem>>) semaphore(%arg11 : memref<!tpu.dma_semaphore, #tpu.memory_space<semaphore_mem>>)
      %dma_wait3A = arith.constant 0 : i32
      %dma_wait3A_29 = arith.constant 0 : i32
      %dma_wait3A_30 = tpu.memref_slice %arg2[%dma_wait3A, %dma_wait3A_29] : memref<10240x128xf32, #tpu.memory_space<hbm>> -> memref<10240x128xf32, #tpu.memory_space<hbm>>
      tpu.wait_indirect_dma semaphore(%arg11 : memref<!tpu.dma_semaphore, #tpu.memory_space<semaphore_mem>>) src(%dma_wait3A_30 : memref<10240x128xf32, #tpu.memory_space<hbm>>) dst(%arg9 : memref<128x128xf32, #tpu.memory_space<vmem>>)
      "tpu.region"() ({
        %run_scoped3A = tpu.sem_alloc : memref<!tpu.dma_semaphore, #tpu.memory_space<semaphore_mem>>
        %dma_start3A_31 = arith.constant 0 : i32
        %dma_start3A_32 = arith.constant 0 : i32
        %dma_start3A_33 = tpu.memref_slice %arg10[%dma_start3A_31, %dma_start3A_32] : memref<10240x128xf32, #tpu.memory_space<vmem_shared>> -> memref<10240x128xf32, #tpu.memory_space<vmem_shared>>
        tpu.enqueue_indirect_dma source(%arg9 : memref<128x128xf32, #tpu.memory_space<vmem>>) target(%dma_start3A_33 : memref<10240x128xf32, #tpu.memory_space<vmem_shared>>) offsets(%arg8 : memref<128xi32, #tpu.memory_space<vmem>>) semaphore(%run_scoped3A : memref<!tpu.dma_semaphore, #tpu.memory_space<semaphore_mem>>) {add = true}
        %dma_wait3A_34 = arith.constant 0 : i32
        %dma_wait3A_35 = arith.constant 0 : i32
        %dma_wait3A_36 = tpu.memref_slice %arg10[%dma_wait3A_34, %dma_wait3A_35] : memref<10240x128xf32, #tpu.memory_space<vmem_shared>> -> memref<10240x128xf32, #tpu.memory_space<vmem_shared>>
        tpu.wait_indirect_dma semaphore(%run_scoped3A : memref<!tpu.dma_semaphore, #tpu.memory_space<semaphore_mem>>) src(%arg9 : memref<128x128xf32, #tpu.memory_space<vmem>>) dst(%dma_wait3A_36 : memref<10240x128xf32, #tpu.memory_space<vmem_shared>>)
        tpu.yield
      }) : () -> ()
    }
    %while3A_21 = arith.constant 1 : i32
    scf.for %while3A_23 = %while3A_19 to %while3A_15 step %while3A_21  : i32 {
      %add3A_24 = arith.addi %select_n3A, %while3A_23 : i32
      %mul3A_25 = arith.constant 128 : i32
      %mul3A_26 = arith.muli %add3A_24, %mul3A_25 : i32
      "tpu.region"() ({
        %run_scoped3A = tpu.sem_alloc : memref<!tpu.dma_semaphore, #tpu.memory_space<semaphore_mem>>
        %dma_start3A_31 = tpu.memref_slice %arg3[%mul3A_26] : memref<323584xi32, #tpu.memory_space<hbm>> -> memref<128xi32, #tpu.memory_space<hbm>>
        %dma_start3A_32 = tpu.memref_slice %arg3[%mul3A_26] : memref<323584xi32, #tpu.memory_space<hbm>> -> memref<128xi32, #tpu.memory_space<hbm>>
        tpu.enqueue_dma source(%dma_start3A_32 : memref<128xi32, #tpu.memory_space<hbm>>) target(%arg7 : memref<128xi32, #tpu.memory_space<vmem>>) target_semaphore(%run_scoped3A : memref<!tpu.dma_semaphore, #tpu.memory_space<semaphore_mem>>)
        %dma_wait3A_33 = tpu.memref_slice %arg3[%mul3A_26] : memref<323584xi32, #tpu.memory_space<hbm>> -> memref<128xi32, #tpu.memory_space<hbm>>
        %dma_wait3A_34 = tpu.memref_slice %arg3[%mul3A_26] : memref<323584xi32, #tpu.memory_space<hbm>> -> memref<128xi32, #tpu.memory_space<hbm>>
        tpu.wait_dma2 semaphore(%run_scoped3A : memref<!tpu.dma_semaphore, #tpu.memory_space<semaphore_mem>>) src(%dma_wait3A_34 : memref<128xi32, #tpu.memory_space<hbm>>) dst(%arg7 : memref<128xi32, #tpu.memory_space<vmem>>)
        tpu.yield
      }) : () -> ()
      "tpu.region"() ({
        %run_scoped3A = tpu.sem_alloc : memref<!tpu.dma_semaphore, #tpu.memory_space<semaphore_mem>>
        %dma_start3A_31 = tpu.memref_slice %arg4[%mul3A_26] : memref<323584xi32, #tpu.memory_space<hbm>> -> memref<128xi32, #tpu.memory_space<hbm>>
        %dma_start3A_32 = tpu.memref_slice %arg4[%mul3A_26] : memref<323584xi32, #tpu.memory_space<hbm>> -> memref<128xi32, #tpu.memory_space<hbm>>
        tpu.enqueue_dma source(%dma_start3A_32 : memref<128xi32, #tpu.memory_space<hbm>>) target(%arg8 : memref<128xi32, #tpu.memory_space<vmem>>) target_semaphore(%run_scoped3A : memref<!tpu.dma_semaphore, #tpu.memory_space<semaphore_mem>>)
        %dma_wait3A_33 = tpu.memref_slice %arg4[%mul3A_26] : memref<323584xi32, #tpu.memory_space<hbm>> -> memref<128xi32, #tpu.memory_space<hbm>>
        %dma_wait3A_34 = tpu.memref_slice %arg4[%mul3A_26] : memref<323584xi32, #tpu.memory_space<hbm>> -> memref<128xi32, #tpu.memory_space<hbm>>
        tpu.wait_dma2 semaphore(%run_scoped3A : memref<!tpu.dma_semaphore, #tpu.memory_space<semaphore_mem>>) src(%dma_wait3A_34 : memref<128xi32, #tpu.memory_space<hbm>>) dst(%arg8 : memref<128xi32, #tpu.memory_space<vmem>>)
        tpu.yield
      }) : () -> ()
      %dma_start3A = arith.constant 0 : i32
      %dma_start3A_27 = arith.constant 0 : i32
      %dma_start3A_28 = tpu.memref_slice %arg2[%dma_start3A, %dma_start3A_27] : memref<10240x128xf32, #tpu.memory_space<hbm>> -> memref<10240x128xf32, #tpu.memory_space<hbm>>
      tpu.enqueue_indirect_dma source(%dma_start3A_28 : memref<10240x128xf32, #tpu.memory_space<hbm>>) target(%arg9 : memref<128x128xf32, #tpu.memory_space<vmem>>) offsets(%arg7 : memref<128xi32, #tpu.memory_space<vmem>>) semaphore(%arg11 : memref<!tpu.dma_semaphore, #tpu.memory_space<semaphore_mem>>)
      %dma_wait3A = arith.constant 0 : i32
      %dma_wait3A_29 = arith.constant 0 : i32
      %dma_wait3A_30 = tpu.memref_slice %arg2[%dma_wait3A, %dma_wait3A_29] : memref<10240x128xf32, #tpu.memory_space<hbm>> -> memref<10240x128xf32, #tpu.memory_space<hbm>>
      tpu.wait_indirect_dma semaphore(%arg11 : memref<!tpu.dma_semaphore, #tpu.memory_space<semaphore_mem>>) src(%dma_wait3A_30 : memref<10240x128xf32, #tpu.memory_space<hbm>>) dst(%arg9 : memref<128x128xf32, #tpu.memory_space<vmem>>)
      "tpu.region"() ({
        %run_scoped3A = tpu.sem_alloc : memref<!tpu.dma_semaphore, #tpu.memory_space<semaphore_mem>>
        %dma_start3A_31 = arith.constant 0 : i32
        %dma_start3A_32 = arith.constant 0 : i32
        %dma_start3A_33 = tpu.memref_slice %arg10[%dma_start3A_31, %dma_start3A_32] : memref<10240x128xf32, #tpu.memory_space<vmem_shared>> -> memref<10240x128xf32, #tpu.memory_space<vmem_shared>>
        tpu.enqueue_indirect_dma source(%arg9 : memref<128x128xf32, #tpu.memory_space<vmem>>) target(%dma_start3A_33 : memref<10240x128xf32, #tpu.memory_space<vmem_shared>>) offsets(%arg8 : memref<128xi32, #tpu.memory_space<vmem>>) semaphore(%run_scoped3A : memref<!tpu.dma_semaphore, #tpu.memory_space<semaphore_mem>>) {add = true}
        %dma_wait3A_34 = arith.constant 0 : i32
        %dma_wait3A_35 = arith.constant 0 : i32
        %dma_wait3A_36 = tpu.memref_slice %arg10[%dma_wait3A_34, %dma_wait3A_35] : memref<10240x128xf32, #tpu.memory_space<vmem_shared>> -> memref<10240x128xf32, #tpu.memory_space<vmem_shared>>
        tpu.wait_indirect_dma semaphore(%run_scoped3A : memref<!tpu.dma_semaphore, #tpu.memory_space<semaphore_mem>>) src(%arg9 : memref<128x128xf32, #tpu.memory_space<vmem>>) dst(%dma_wait3A_36 : memref<10240x128xf32, #tpu.memory_space<vmem_shared>>)
        tpu.yield
      }) : () -> ()
    }
    %barrier3A_22 = arith.constant 0 : index
    tpu.barrier barrier_id(%barrier3A_22)
    "tpu.region"() ({
      %run_scoped3A = tpu.sem_alloc : memref<!tpu.dma_semaphore, #tpu.memory_space<semaphore_mem>>
      %dma_start3A = arith.constant 0 : i32
      %dma_start3A_23 = arith.constant 0 : i32
      %dma_start3A_24 = tpu.memref_slice %arg6[%arg0, %dma_start3A, %dma_start3A_23] : memref<2x10240x128xf32, #tpu.memory_space<hbm>> -> memref<1x10240x128xf32, #tpu.memory_space<hbm>>
      %dma_start3A_25 = tpu.memref_squeeze %dma_start3A_24 : memref<1x10240x128xf32, #tpu.memory_space<hbm>> -> memref<10240x128xf32, #tpu.memory_space<hbm>>
      %dma_start3A_26 = arith.constant 0 : i32
      %dma_start3A_27 = tpu.memref_slice %dma_start3A_25[%mul3A_0, %dma_start3A_26] : memref<10240x128xf32, #tpu.memory_space<hbm>> -> memref<640x128xf32, #tpu.memory_space<hbm>>
      %dma_start3A_28 = arith.constant 0 : i32
      %dma_start3A_29 = tpu.memref_slice %arg10[%mul3A_0, %dma_start3A_28] : memref<10240x128xf32, #tpu.memory_space<vmem_shared>> -> memref<640x128xf32, #tpu.memory_space<vmem_shared>>
      tpu.enqueue_dma source(%dma_start3A_29 : memref<640x128xf32, #tpu.memory_space<vmem_shared>>) target(%dma_start3A_27 : memref<640x128xf32, #tpu.memory_space<hbm>>) target_semaphore(%run_scoped3A : memref<!tpu.dma_semaphore, #tpu.memory_space<semaphore_mem>>)
      %dma_wait3A = arith.constant 0 : i32
      %dma_wait3A_30 = arith.constant 0 : i32
      %dma_wait3A_31 = tpu.memref_slice %arg6[%arg0, %dma_wait3A, %dma_wait3A_30] : memref<2x10240x128xf32, #tpu.memory_space<hbm>> -> memref<1x10240x128xf32, #tpu.memory_space<hbm>>
      %dma_wait3A_32 = tpu.memref_squeeze %dma_wait3A_31 : memref<1x10240x128xf32, #tpu.memory_space<hbm>> -> memref<10240x128xf32, #tpu.memory_space<hbm>>
      %dma_wait3A_33 = arith.constant 0 : i32
      %dma_wait3A_34 = tpu.memref_slice %dma_wait3A_32[%mul3A_0, %dma_wait3A_33] : memref<10240x128xf32, #tpu.memory_space<hbm>> -> memref<640x128xf32, #tpu.memory_space<hbm>>
      %dma_wait3A_35 = arith.constant 0 : i32
      %dma_wait3A_36 = tpu.memref_slice %arg10[%mul3A_0, %dma_wait3A_35] : memref<10240x128xf32, #tpu.memory_space<vmem_shared>> -> memref<640x128xf32, #tpu.memory_space<vmem_shared>>
      tpu.wait_dma2 semaphore(%run_scoped3A : memref<!tpu.dma_semaphore, #tpu.memory_space<semaphore_mem>>) src(%dma_wait3A_36 : memref<640x128xf32, #tpu.memory_space<vmem_shared>>) dst(%dma_wait3A_34 : memref<640x128xf32, #tpu.memory_space<hbm>>)
      tpu.yield
    }) : () -> ()
    return
  }
}

module attributes {stable_mosaic.version = 14 : i64} {
  func.func @body(%arg0: i32, %arg1: memref<2x512x128xf32, #tpu.memory_space<vmem>>, %arg2: memref<32x512xf32, #tpu.memory_space<vmem>>, %arg3: memref<512x128xf32, #tpu.memory_space<vmem>>, %arg4: memref<128x128xf32, #tpu.memory_space<vmem>>, %arg5: memref<128x128xf32, #tpu.memory_space<vmem>>, %arg6: memref<1x128xf32, #tpu.memory_space<vmem>>, %arg7: memref<512x128xf32, #tpu.memory_space<vmem>>) attributes {dimension_semantics = [#tpu.dimension_semantics<arbitrary>], iteration_bounds = array<i64: 20>, scalar_prefetch = 0 : i64, scratch_operands = 0 : i64, tpu.core_type = #tpu.core_type<tc>, window_params = [{transform_indices = @transform_0, window_bounds = array<i64: 2, 512, 128>}, {transform_indices = @transform_1, window_bounds = array<i64: 32, 512>}, {transform_indices = @transform_2, window_bounds = array<i64: 512, 128>}, {pipeline_mode = #tpu.pipeline_mode<synchronous>, transform_indices = @transform_3, window_bounds = array<i64: 128, 128>}, {pipeline_mode = #tpu.pipeline_mode<synchronous>, transform_indices = @transform_4, window_bounds = array<i64: 128, 128>}, {pipeline_mode = #tpu.pipeline_mode<synchronous>, transform_indices = @transform_5, window_bounds = array<i64: 1, 128>}, {transform_indices = @transform_6, window_bounds = array<i64: 512, 128>}]} {
    %get3A = arith.constant 0 : index
    %get3A_0 = arith.constant 0 : index
    %get3A_1 = arith.constant 0 : index
    %get3A_2 = vector.load %arg1[%get3A, %get3A_0, %get3A_1] : memref<2x512x128xf32, #tpu.memory_space<vmem>>, vector<1x512x128xf32>
    %get3A_3 = vector.shape_cast %get3A_2 : vector<1x512x128xf32> to vector<512x128xf32>
    %get3A_4 = arith.constant 1 : index
    %get3A_5 = arith.constant 0 : index
    %get3A_6 = arith.constant 0 : index
    %get3A_7 = vector.load %arg1[%get3A_4, %get3A_5, %get3A_6] : memref<2x512x128xf32, #tpu.memory_space<vmem>>, vector<1x512x128xf32>
    %get3A_8 = vector.shape_cast %get3A_7 : vector<1x512x128xf32> to vector<512x128xf32>
    %add3A = arith.addf %get3A_3, %get3A_8 : vector<512x128xf32>
    %get3A_9 = arith.constant 0 : index
    %get3A_10 = arith.constant 0 : index
    %get3A_11 = vector.load %arg2[%get3A_9, %get3A_10] : memref<32x512xf32, #tpu.memory_space<vmem>>, vector<32x512xf32>
    %reduce_sum3A = arith.constant dense<0.000000e+00> : vector<512xf32>
    %reduce_sum3A_12 = vector.multi_reduction <add>, %get3A_11, %reduce_sum3A [0] : vector<32x512xf32> to vector<512xf32>
    %max3A = arith.constant 1.000000e+00 : f32
    %max3A_13 = vector.broadcast %max3A : f32 to vector<512xf32>
    %max3A_14 = arith.maximumf %reduce_sum3A_12, %max3A_13 : vector<512xf32>
    %div3A = arith.constant 1.000000e+00 : f32
    %div3A_15 = vector.broadcast %div3A : f32 to vector<512xf32>
    %div3A_16 = arith.divf %div3A_15, %max3A_14 : vector<512xf32>
    %broadcast_in_dim3A = vector.shape_cast %div3A_16 : vector<512xf32> to vector<512x1xf32>
    %mul3A = vector.broadcast %broadcast_in_dim3A : vector<512x1xf32> to vector<512x128xf32>
    %mul3A_17 = arith.mulf %add3A, %mul3A : vector<512x128xf32>
    %get3A_18 = arith.constant 0 : index
    %get3A_19 = arith.constant 0 : index
    %get3A_20 = vector.load %arg4[%get3A_18, %get3A_19] : memref<128x128xf32, #tpu.memory_space<vmem>>, vector<128x128xf32>
    %dot_general3A = arith.constant dense<0.000000e+00> : vector<512x128xf32>
    %dot_general3A_21 = tpu.matmul %mul3A_17, %get3A_20, %dot_general3A {dimension_numbers = #tpu.dot_dimension_numbers<[1], [0], [0], [1], [0, 0, 1, 1], [], []>, transpose_lhs_hint = false} : vector<512x128xf32>, vector<128x128xf32>, vector<512x128xf32> -> vector<512x128xf32>
    %get3A_22 = arith.constant 0 : index
    %get3A_23 = arith.constant 0 : index
    %get3A_24 = vector.load %arg3[%get3A_22, %get3A_23] : memref<512x128xf32, #tpu.memory_space<vmem>>, vector<512x128xf32>
    %get3A_25 = arith.constant 0 : index
    %get3A_26 = arith.constant 0 : index
    %get3A_27 = vector.load %arg5[%get3A_25, %get3A_26] : memref<128x128xf32, #tpu.memory_space<vmem>>, vector<128x128xf32>
    %dot_general3A_28 = arith.constant dense<0.000000e+00> : vector<512x128xf32>
    %dot_general3A_29 = tpu.matmul %get3A_24, %get3A_27, %dot_general3A_28 {dimension_numbers = #tpu.dot_dimension_numbers<[1], [0], [0], [1], [0, 0, 1, 1], [], []>, transpose_lhs_hint = false} : vector<512x128xf32>, vector<128x128xf32>, vector<512x128xf32> -> vector<512x128xf32>
    %add3A_30 = arith.addf %dot_general3A_21, %dot_general3A_29 : vector<512x128xf32>
    %get3A_31 = arith.constant 0 : index
    %get3A_32 = arith.constant 0 : index
    %get3A_33 = vector.load %arg6[%get3A_31, %get3A_32] : memref<1x128xf32, #tpu.memory_space<vmem>>, vector<1x128xf32>
    %add3A_34 = vector.broadcast %get3A_33 : vector<1x128xf32> to vector<512x128xf32>
    %add3A_35 = arith.addf %add3A_30, %add3A_34 : vector<512x128xf32>
    %swap3A = arith.constant 0 : index
    %swap3A_36 = arith.constant 0 : index
    %swap3A_37 = vector.load %arg7[%swap3A, %swap3A_36] : memref<512x128xf32, #tpu.memory_space<vmem>>, vector<512x128xf32>
    tpu.vector_store %arg7[%swap3A, %swap3A_36], %add3A_35 {strides = array<i32>} : memref<512x128xf32, #tpu.memory_space<vmem>>, vector<512x128xf32>,
    return
  }
  func.func @transform_0(%arg0: i32) -> (i32, i32, i32) {
    %c0_i32 = arith.constant 0 : i32
    %c0_i32_0 = arith.constant 0 : i32
    %c0_i32_1 = arith.constant 0 : i32
    return %c0_i32, %arg0, %c0_i32_0 : i32, i32, i32
  }
  func.func @transform_1(%arg0: i32) -> (i32, i32) {
    %c0_i32 = arith.constant 0 : i32
    %c0_i32_0 = arith.constant 0 : i32
    return %c0_i32, %arg0 : i32, i32
  }
  func.func @transform_2(%arg0: i32) -> (i32, i32) {
    %c0_i32 = arith.constant 0 : i32
    %c0_i32_0 = arith.constant 0 : i32
    return %arg0, %c0_i32 : i32, i32
  }
  func.func @transform_3(%arg0: i32) -> (i32, i32) {
    %c0_i32 = arith.constant 0 : i32
    %c0_i32_0 = arith.constant 0 : i32
    %c0_i32_1 = arith.constant 0 : i32
    return %c0_i32, %c0_i32_0 : i32, i32
  }
  func.func @transform_4(%arg0: i32) -> (i32, i32) {
    %c0_i32 = arith.constant 0 : i32
    %c0_i32_0 = arith.constant 0 : i32
    %c0_i32_1 = arith.constant 0 : i32
    return %c0_i32, %c0_i32_0 : i32, i32
  }
  func.func @transform_5(%arg0: i32) -> (i32, i32) {
    %c0_i32 = arith.constant 0 : i32
    %c0_i32_0 = arith.constant 0 : i32
    %c0_i32_1 = arith.constant 0 : i32
    return %c0_i32, %c0_i32_0 : i32, i32
  }
  func.func @transform_6(%arg0: i32) -> (i32, i32) {
    %c0_i32 = arith.constant 0 : i32
    %c0_i32_0 = arith.constant 0 : i32
    return %arg0, %c0_i32 : i32, i32
  }
}

module attributes {stable_mosaic.version = 14 : i64} {
  func.func @body(%arg0: i32, %arg1: memref<2x512x128xf32, #tpu.memory_space<vmem>>, %arg2: memref<32x512xf32, #tpu.memory_space<vmem>>, %arg3: memref<512x128xf32, #tpu.memory_space<vmem>>, %arg4: memref<128x128xf32, #tpu.memory_space<vmem>>, %arg5: memref<128x128xf32, #tpu.memory_space<vmem>>, %arg6: memref<1x128xf32, #tpu.memory_space<vmem>>, %arg7: memref<1x1x512xi32, #tpu.memory_space<vmem>>, %arg8: memref<64x128xf32, #tpu.memory_space<vmem>>) attributes {dimension_semantics = [#tpu.dimension_semantics<arbitrary>], iteration_bounds = array<i64: 20>, scalar_prefetch = 0 : i64, scratch_operands = 0 : i64, tpu.core_type = #tpu.core_type<tc>, window_params = [{transform_indices = @transform_0, window_bounds = array<i64: 2, 512, 128>}, {transform_indices = @transform_1, window_bounds = array<i64: 32, 512>}, {transform_indices = @transform_2, window_bounds = array<i64: 512, 128>}, {pipeline_mode = #tpu.pipeline_mode<synchronous>, transform_indices = @transform_3, window_bounds = array<i64: 128, 128>}, {pipeline_mode = #tpu.pipeline_mode<synchronous>, transform_indices = @transform_4, window_bounds = array<i64: 128, 128>}, {pipeline_mode = #tpu.pipeline_mode<synchronous>, transform_indices = @transform_5, window_bounds = array<i64: 1, 128>}, {transform_indices = @transform_6, window_bounds = array<i64: 1, 1, 512>}, {pipeline_mode = #tpu.pipeline_mode<synchronous>, transform_indices = @transform_7, window_bounds = array<i64: 64, 128>}]} {
    %eq3A = arith.constant 0 : i32
    %eq3A_0 = arith.cmpi eq, %arg0, %eq3A : i32
    %convert_element_type3A = arith.extui %eq3A_0 : i1 to i32
    %cond3A = arith.constant 0 : i32
    %cond3A_1 = arith.cmpi ne, %convert_element_type3A, %cond3A : i32
    scf.if %cond3A_1 {
      %broadcast_in_dim3A_56 = arith.constant 0.000000e+00 : f32
      %broadcast_in_dim3A_57 = vector.broadcast %broadcast_in_dim3A_56 : f32 to vector<64x128xf32>
      %swap3A_58 = arith.constant 0 : index
      %swap3A_59 = arith.constant 0 : index
      %swap3A_60 = vector.load %arg8[%swap3A_58, %swap3A_59] : memref<64x128xf32, #tpu.memory_space<vmem>>, vector<64x128xf32>
      tpu.vector_store %arg8[%swap3A_58, %swap3A_59], %broadcast_in_dim3A_57 {strides = array<i32>} : memref<64x128xf32, #tpu.memory_space<vmem>>, vector<64x128xf32>,
    } else {
    }
    %get3A = arith.constant 0 : index
    %get3A_2 = arith.constant 0 : index
    %get3A_3 = arith.constant 0 : index
    %get3A_4 = vector.load %arg1[%get3A, %get3A_2, %get3A_3] : memref<2x512x128xf32, #tpu.memory_space<vmem>>, vector<1x512x128xf32>
    %get3A_5 = vector.shape_cast %get3A_4 : vector<1x512x128xf32> to vector<512x128xf32>
    %get3A_6 = arith.constant 1 : index
    %get3A_7 = arith.constant 0 : index
    %get3A_8 = arith.constant 0 : index
    %get3A_9 = vector.load %arg1[%get3A_6, %get3A_7, %get3A_8] : memref<2x512x128xf32, #tpu.memory_space<vmem>>, vector<1x512x128xf32>
    %get3A_10 = vector.shape_cast %get3A_9 : vector<1x512x128xf32> to vector<512x128xf32>
    %add3A = arith.addf %get3A_5, %get3A_10 : vector<512x128xf32>
    %get3A_11 = arith.constant 0 : index
    %get3A_12 = arith.constant 0 : index
    %get3A_13 = vector.load %arg2[%get3A_11, %get3A_12] : memref<32x512xf32, #tpu.memory_space<vmem>>, vector<32x512xf32>
    %reduce_sum3A = arith.constant dense<0.000000e+00> : vector<512xf32>
    %reduce_sum3A_14 = vector.multi_reduction <add>, %get3A_13, %reduce_sum3A [0] : vector<32x512xf32> to vector<512xf32>
    %max3A = arith.constant 1.000000e+00 : f32
    %max3A_15 = vector.broadcast %max3A : f32 to vector<512xf32>
    %max3A_16 = arith.maximumf %reduce_sum3A_14, %max3A_15 : vector<512xf32>
    %div3A = arith.constant 1.000000e+00 : f32
    %div3A_17 = vector.broadcast %div3A : f32 to vector<512xf32>
    %div3A_18 = arith.divf %div3A_17, %max3A_16 : vector<512xf32>
    %broadcast_in_dim3A = vector.shape_cast %div3A_18 : vector<512xf32> to vector<512x1xf32>
    %mul3A = vector.broadcast %broadcast_in_dim3A : vector<512x1xf32> to vector<512x128xf32>
    %mul3A_19 = arith.mulf %add3A, %mul3A : vector<512x128xf32>
    %get3A_20 = arith.constant 0 : index
    %get3A_21 = arith.constant 0 : index
    %get3A_22 = vector.load %arg4[%get3A_20, %get3A_21] : memref<128x128xf32, #tpu.memory_space<vmem>>, vector<128x128xf32>
    %dot_general3A = arith.constant dense<0.000000e+00> : vector<512x128xf32>
    %dot_general3A_23 = tpu.matmul %mul3A_19, %get3A_22, %dot_general3A {dimension_numbers = #tpu.dot_dimension_numbers<[1], [0], [0], [1], [0, 0, 1, 1], [], []>, transpose_lhs_hint = false} : vector<512x128xf32>, vector<128x128xf32>, vector<512x128xf32> -> vector<512x128xf32>
    %get3A_24 = arith.constant 0 : index
    %get3A_25 = arith.constant 0 : index
    %get3A_26 = vector.load %arg3[%get3A_24, %get3A_25] : memref<512x128xf32, #tpu.memory_space<vmem>>, vector<512x128xf32>
    %get3A_27 = arith.constant 0 : index
    %get3A_28 = arith.constant 0 : index
    %get3A_29 = vector.load %arg5[%get3A_27, %get3A_28] : memref<128x128xf32, #tpu.memory_space<vmem>>, vector<128x128xf32>
    %dot_general3A_30 = arith.constant dense<0.000000e+00> : vector<512x128xf32>
    %dot_general3A_31 = tpu.matmul %get3A_26, %get3A_29, %dot_general3A_30 {dimension_numbers = #tpu.dot_dimension_numbers<[1], [0], [0], [1], [0, 0, 1, 1], [], []>, transpose_lhs_hint = false} : vector<512x128xf32>, vector<128x128xf32>, vector<512x128xf32> -> vector<512x128xf32>
    %add3A_32 = arith.addf %dot_general3A_23, %dot_general3A_31 : vector<512x128xf32>
    %get3A_33 = arith.constant 0 : index
    %get3A_34 = arith.constant 0 : index
    %get3A_35 = vector.load %arg6[%get3A_33, %get3A_34] : memref<1x128xf32, #tpu.memory_space<vmem>>, vector<1x128xf32>
    %add3A_36 = vector.broadcast %get3A_35 : vector<1x128xf32> to vector<512x128xf32>
    %add3A_37 = arith.addf %add3A_32, %add3A_36 : vector<512x128xf32>
    %get3A_38 = arith.constant 0 : index
    %get3A_39 = arith.constant 0 : index
    %get3A_40 = arith.constant 0 : index
    %get3A_41 = vector.load %arg7[%get3A_38, %get3A_39, %get3A_40] : memref<1x1x512xi32, #tpu.memory_space<vmem>>, vector<1x1x512xi32>
    %get3A_42 = vector.shape_cast %get3A_41 : vector<1x1x512xi32> to vector<512xi32>
    %broadcast_in_dim3A_43 = vector.shape_cast %get3A_42 : vector<512xi32> to vector<512x1xi32>
    %iota3A = tpu.iota {dimensions = array<i32: 1>} : vector<512x64xi32>
    %eq3A_44 = vector.broadcast %broadcast_in_dim3A_43 : vector<512x1xi32> to vector<512x64xi32>
    %eq3A_45 = arith.cmpi eq, %eq3A_44, %iota3A : vector<512x64xi32>
    %convert_element_type3A_46 = arith.extui %eq3A_45 : vector<512x64xi1> to vector<512x64xi32>
    %convert_element_type3A_47 = arith.sitofp %convert_element_type3A_46 : vector<512x64xi32> to vector<512x64xf32>
    %get3A_48 = arith.constant 0 : index
    %get3A_49 = arith.constant 0 : index
    %get3A_50 = vector.load %arg8[%get3A_48, %get3A_49] : memref<64x128xf32, #tpu.memory_space<vmem>>, vector<64x128xf32>
    %dot_general3A_51 = arith.constant dense<0.000000e+00> : vector<64x128xf32>
    %dot_general3A_52 = tpu.matmul %convert_element_type3A_47, %add3A_37, %dot_general3A_51 {dimension_numbers = #tpu.dot_dimension_numbers<[0], [0], [1], [1], [0, 1, 1, 1], [], []>, transpose_lhs_hint = false} : vector<512x64xf32>, vector<512x128xf32>, vector<64x128xf32> -> vector<64x128xf32>
    %add3A_53 = arith.addf %get3A_50, %dot_general3A_52 : vector<64x128xf32>
    %swap3A = arith.constant 0 : index
    %swap3A_54 = arith.constant 0 : index
    %swap3A_55 = vector.load %arg8[%swap3A, %swap3A_54] : memref<64x128xf32, #tpu.memory_space<vmem>>, vector<64x128xf32>
    tpu.vector_store %arg8[%swap3A, %swap3A_54], %add3A_53 {strides = array<i32>} : memref<64x128xf32, #tpu.memory_space<vmem>>, vector<64x128xf32>,
    return
  }
  func.func @transform_0(%arg0: i32) -> (i32, i32, i32) {
    %c0_i32 = arith.constant 0 : i32
    %c0_i32_0 = arith.constant 0 : i32
    %c0_i32_1 = arith.constant 0 : i32
    return %c0_i32, %arg0, %c0_i32_0 : i32, i32, i32
  }
  func.func @transform_1(%arg0: i32) -> (i32, i32) {
    %c0_i32 = arith.constant 0 : i32
    %c0_i32_0 = arith.constant 0 : i32
    return %c0_i32, %arg0 : i32, i32
  }
  func.func @transform_2(%arg0: i32) -> (i32, i32) {
    %c0_i32 = arith.constant 0 : i32
    %c0_i32_0 = arith.constant 0 : i32
    return %arg0, %c0_i32 : i32, i32
  }
  func.func @transform_3(%arg0: i32) -> (i32, i32) {
    %c0_i32 = arith.constant 0 : i32
    %c0_i32_0 = arith.constant 0 : i32
    %c0_i32_1 = arith.constant 0 : i32
    return %c0_i32, %c0_i32_0 : i32, i32
  }
  func.func @transform_4(%arg0: i32) -> (i32, i32) {
    %c0_i32 = arith.constant 0 : i32
    %c0_i32_0 = arith.constant 0 : i32
    %c0_i32_1 = arith.constant 0 : i32
    return %c0_i32, %c0_i32_0 : i32, i32
  }
  func.func @transform_5(%arg0: i32) -> (i32, i32) {
    %c0_i32 = arith.constant 0 : i32
    %c0_i32_0 = arith.constant 0 : i32
    %c0_i32_1 = arith.constant 0 : i32
    return %c0_i32, %c0_i32_0 : i32, i32
  }
  func.func @transform_6(%arg0: i32) -> (i32, i32, i32) {
    %c0_i32 = arith.constant 0 : i32
    %c0_i32_0 = arith.constant 0 : i32
    %c0_i32_1 = arith.constant 0 : i32
    return %arg0, %c0_i32, %c0_i32_0 : i32, i32, i32
  }
  func.func @transform_7(%arg0: i32) -> (i32, i32) {
    %c0_i32 = arith.constant 0 : i32
    %c0_i32_0 = arith.constant 0 : i32
    %c0_i32_1 = arith.constant 0 : i32
    return %c0_i32, %c0_i32_0 : i32, i32
  }
}

module attributes {stable_mosaic.version = 14 : i64} {
  func.func @body(%arg0: memref<64x128xf32, #tpu.memory_space<vmem>>, %arg1: memref<128x128xf32, #tpu.memory_space<vmem>>, %arg2: memref<1x128xf32, #tpu.memory_space<vmem>>, %arg3: memref<1x128xf32, #tpu.memory_space<vmem>>, %arg4: memref<1x128xf32, #tpu.memory_space<vmem>>, %arg5: memref<1x128xf32, #tpu.memory_space<vmem>>, %arg6: memref<1x128xf32, #tpu.memory_space<vmem>>, %arg7: memref<128x128xf32, #tpu.memory_space<vmem>>, %arg8: memref<1x128xf32, #tpu.memory_space<vmem>>, %arg9: memref<64x128xf32, #tpu.memory_space<vmem>>) attributes {dimension_semantics = [], scalar_prefetch = 0 : i64, scratch_operands = 0 : i64, tpu.core_type = #tpu.core_type<tc>} {
    %get3A = arith.constant 0 : index
    %get3A_0 = arith.constant 0 : index
    %get3A_1 = vector.load %arg0[%get3A, %get3A_0] : memref<64x128xf32, #tpu.memory_space<vmem>>, vector<64x128xf32>
    %get3A_2 = arith.constant 0 : index
    %get3A_3 = arith.constant 0 : index
    %get3A_4 = vector.load %arg1[%get3A_2, %get3A_3] : memref<128x128xf32, #tpu.memory_space<vmem>>, vector<128x128xf32>
    %dot_general3A = arith.constant dense<0.000000e+00> : vector<64x128xf32>
    %dot_general3A_5 = tpu.matmul %get3A_1, %get3A_4, %dot_general3A {dimension_numbers = #tpu.dot_dimension_numbers<[1], [0], [0], [1], [0, 0, 1, 1], [], []>, transpose_lhs_hint = false} : vector<64x128xf32>, vector<128x128xf32>, vector<64x128xf32> -> vector<64x128xf32>
    %get3A_6 = arith.constant 0 : index
    %get3A_7 = arith.constant 0 : index
    %get3A_8 = vector.load %arg2[%get3A_6, %get3A_7] : memref<1x128xf32, #tpu.memory_space<vmem>>, vector<1x128xf32>
    %add3A = vector.broadcast %get3A_8 : vector<1x128xf32> to vector<64x128xf32>
    %add3A_9 = arith.addf %dot_general3A_5, %add3A : vector<64x128xf32>
    %get3A_10 = arith.constant 0 : index
    %get3A_11 = arith.constant 0 : index
    %get3A_12 = vector.load %arg5[%get3A_10, %get3A_11] : memref<1x128xf32, #tpu.memory_space<vmem>>, vector<1x128xf32>
    %sub3A = vector.broadcast %get3A_12 : vector<1x128xf32> to vector<64x128xf32>
    %sub3A_13 = arith.subf %add3A_9, %sub3A : vector<64x128xf32>
    %get3A_14 = arith.constant 0 : index
    %get3A_15 = arith.constant 0 : index
    %get3A_16 = vector.load %arg3[%get3A_14, %get3A_15] : memref<1x128xf32, #tpu.memory_space<vmem>>, vector<1x128xf32>
    %get3A_17 = arith.constant 0 : index
    %get3A_18 = arith.constant 0 : index
    %get3A_19 = vector.load %arg6[%get3A_17, %get3A_18] : memref<1x128xf32, #tpu.memory_space<vmem>>, vector<1x128xf32>
    %add3A_20 = arith.constant 9.99999974E-6 : f32
    %add3A_21 = vector.broadcast %add3A_20 : f32 to vector<1x128xf32>
    %add3A_22 = arith.addf %get3A_19, %add3A_21 : vector<1x128xf32>
    %rsqrt3A = math.rsqrt %add3A_22 : vector<1x128xf32>
    %mul3A = arith.mulf %get3A_16, %rsqrt3A : vector<1x128xf32>
    %mul3A_23 = vector.broadcast %mul3A : vector<1x128xf32> to vector<64x128xf32>
    %mul3A_24 = arith.mulf %sub3A_13, %mul3A_23 : vector<64x128xf32>
    %get3A_25 = arith.constant 0 : index
    %get3A_26 = arith.constant 0 : index
    %get3A_27 = vector.load %arg4[%get3A_25, %get3A_26] : memref<1x128xf32, #tpu.memory_space<vmem>>, vector<1x128xf32>
    %add3A_28 = vector.broadcast %get3A_27 : vector<1x128xf32> to vector<64x128xf32>
    %add3A_29 = arith.addf %mul3A_24, %add3A_28 : vector<64x128xf32>
    %max3A = arith.constant 0.000000e+00 : f32
    %max3A_30 = vector.broadcast %max3A : f32 to vector<64x128xf32>
    %max3A_31 = arith.maximumf %add3A_29, %max3A_30 : vector<64x128xf32>
    %get3A_32 = arith.constant 0 : index
    %get3A_33 = arith.constant 0 : index
    %get3A_34 = vector.load %arg7[%get3A_32, %get3A_33] : memref<128x128xf32, #tpu.memory_space<vmem>>, vector<128x128xf32>
    %dot_general3A_35 = arith.constant dense<0.000000e+00> : vector<64x128xf32>
    %dot_general3A_36 = tpu.matmul %max3A_31, %get3A_34, %dot_general3A_35 {dimension_numbers = #tpu.dot_dimension_numbers<[1], [0], [0], [1], [0, 0, 1, 1], [], []>, transpose_lhs_hint = false} : vector<64x128xf32>, vector<128x128xf32>, vector<64x128xf32> -> vector<64x128xf32>
    %get3A_37 = arith.constant 0 : index
    %get3A_38 = arith.constant 0 : index
    %get3A_39 = vector.load %arg8[%get3A_37, %get3A_38] : memref<1x128xf32, #tpu.memory_space<vmem>>, vector<1x128xf32>
    %add3A_40 = vector.broadcast %get3A_39 : vector<1x128xf32> to vector<64x128xf32>
    %add3A_41 = arith.addf %dot_general3A_36, %add3A_40 : vector<64x128xf32>
    %swap3A = arith.constant 0 : index
    %swap3A_42 = arith.constant 0 : index
    %swap3A_43 = vector.load %arg9[%swap3A, %swap3A_42] : memref<64x128xf32, #tpu.memory_space<vmem>>, vector<64x128xf32>
    tpu.vector_store %arg9[%swap3A, %swap3A_42], %add3A_41 {strides = array<i32>} : memref<64x128xf32, #tpu.memory_space<vmem>>, vector<64x128xf32>,
    return
  }
}

</mosaic_0001>

<sc_bundles>
// kernel: kernel.10.cloned.1.call-start
scs
__scs_entry_jumppad:
0x0: {  	(pc) =	sbr.rel $0x88, $3  }
0x1: {  	(tag) =	ssettag $0x0;
	lr =	simm.s32 $0x1  }
0x2: {  	[smem:$0x3F90] =	sst lr;
	_ =	strace $0xD0000000  }
0x3: {  	_ = 	snop  }
0x4: {  	_ = 	snop  }
0x5: {  	_ = 	snop  }
0x6: {  	_ = 	snop  }
0x7: {  	_ = 	snop  }
__scs_overlays_trampoline_lowered:
0x8: {  	[smem:$0x3F9F] =	sst s0  }
0x9: {  	[smem:$0x3FA0] =	sst s1  }
0xa: {  	[smem:$0x3FA1] =	sst s2  }
0xb: {  	[smem:$0x3FA2] =	sst s3  }
0xc: {  	[smem:$0x3FA3] =	sst s4  }
0xd: {  	[smem:$0x3FA4] =	sst s5  }
0xe: {  	[smem:$0x3FA5] =	sst s6  }
0xf: {  	[smem:$0x3FA6] =	sst s7  }
0x10: {  	[smem:$0x3FA7] =	sst s8  }
0x11: {  	[smem:$0x3FA8] =	sst s9;
	s0 =	simm.s32 @!p0 $0x0  }
0x12: {  	s1 =	sld [smem:$0x3F8E];
	s0 =	simm.s32 @p0 $0x1  }
0x13: {  	[smem:$0x3FA9] =	sst s0;
	s0 =	simm.s32 @!p1 $0x0  }
0x14: {  	s2 =	sld [smem:$0x3F8D];
	s0 =	simm.s32 @p1 $0x1  }
0x15: {  	[smem:$0x3FAA] =	sst s0;
	s0 =	simm.s32 @!p2 $0x0  }
0x16: {  	s3 =	sld [smem:$0x3FDB];
	s0 =	simm.s32 @p2 $0x1  }
0x17: {  	s4 =	simm.s32 $0x1BF5;
	[smem:$0x3FAC] =	sst s0  }
0x18: {  	s0 =	sld [smem:$0x3F8F];
	_ =	swait.ge [sflag:s4], $0x0  }
0x19: {  	s7 =	sld [smem:$0x3F90]  }
0x1a: {  	s8 =	sadd.s32 $0xFFFFE003, lr  }
0x1b: {  	s9 =	sadd.s32 $0xFFFFFEF7, lr;
	s5 =	simm.s32 $0xFFFFFFFF;
	p2 =	slt.u32 s8, $0xFFFFF086  }
0x1c: {  	p1 =	slt.u32 s9, $0xF7A;
	s5 =	simm.s32 @!p2 $0x0  }
0x1d: {  	s5 =	simm.s32 @p1 $0x1;
	p0 =	seq.s32 s7, s2  }
0x1e: {  	s7 =	smul.u32 @!p0 $0xF7A, s2;
	p2 =	seq.s32 @!p0 s5, $0x0  }
0x1f: {  	s9 =	smul.u32 $0xF7A, s1;
	s8 =	simm.s32 @!p0 $0x1BF5;
	p2 =	por !p2, p0  }
0x20: {  	[sflag:s8] =	ssyncset.s32 @!p0 $0xFFFFF086;
	s6 =	sadd.s32 @!p0 s3, s7;
	s7 =	simm.s32 @!p0 $0x108  }
0x21: {  	s3 =	sadd.s32 s3, s9;
	s6 =	sadd.s32 @!p0 $0x88, s6;
	s7 =	simm.s32 @p2 $0x1082  }
0x22: {  	[simem:s7], [sflag:s8] =	dma.local @!p0 [hbm:s6], $0xF7A  }
0x23: {  	s9 =	sor.u32 $0xD0000000, s2;
	s6 =	simm.s32 $0x108;
	_ =	swait.ge @!p0 [sflag:s8], $0x0  }
0x24: {  	s3 =	sadd.s32 $0x88, s3;
	s6 =	simm.s32 @!p1 $0x1082;
	[sflag:s4] =	ssyncset.s32 $0xFFFFF086  }
0x25: {  	[simem:s6], [sflag:s4] =	dma.local [hbm:s3], $0xF7A  }
0x26: {  	[smem:$0x3F90] =	sst s1;
	(tag) =	ssettag s2;
	_ =	strace s9  }
0x27: {  	s1 =	sld [smem:$0x3FA0]  }
0x28: {  	s2 =	sld [smem:$0x3FA1]  }
0x29: {  	s4 =	sld [smem:$0x3FA3]  }
0x2a: {  	p0 =	seq.s32 s5, $0x0;
	s5 =	sld [smem:$0x3FA4]  }
0x2b: {  	s6 =	sld [smem:$0x3FA5]  }
0x2c: {  	s7 =	sld [smem:$0x3FA6]  }
0x2d: {  	s3 =	simm.s32 $0x108;
	s8 =	sld [smem:$0x3FA7]  }
0x2e: {  	s3 =	simm.s32 @!p0 $0x1082;
	s9 =	sld [smem:$0x3FA8]  }
0x2f: {  	lr =	sadd.s32 s0, s3;
	s0 =	sld [smem:$0x3F9F]  }
0x30: {  	s3 =	sld [smem:$0x3FA2]  }
0x31: {  	[smem:$0x3FAB] =	sst s10  }
0x32: {  	s10 =	sld [smem:$0x3FA9];
	_ =	sdelay $0x3  }
0x33: {  	p0 =	seq.s32 s10, $0x1;
	s10 =	sld [smem:$0x3FAB];
	_ =	sdelay $0x3  }
0x34: {  	[smem:$0x3FAB] =	sst s10  }
0x35: {  	s10 =	sld [smem:$0x3FAA];
	_ =	sdelay $0x3  }
0x36: {  	p1 =	seq.s32 s10, $0x1;
	s10 =	sld [smem:$0x3FAB];
	_ =	sdelay $0x3  }
0x37: {  	[smem:$0x3FAB] =	sst s10  }
0x38: {  	s10 =	sld [smem:$0x3FAC]  }
0x39: {  	_ = 	snop;
	(pc) =	sbr.ind lr, $3  }
0x3a: {  	_ = 	snop  }
0x3b: {  	_ = 	snop  }
0x3c: {  	p2 =	seq.s32 s10, $0x1;
	s10 =	sld [smem:$0x3FAB]  }
0x3d: {  	_ =	shalt  }
0x3e: {  	_ =	shalt  }
0x3f: {  	_ =	shalt  }
0x40: {  	_ =	shalt  }
0x41: {  	_ =	shalt  }
0x42: {  	_ =	shalt  }
0x43: {  	_ =	shalt  }
0x44: {  	_ =	shalt  }
0x45: {  	_ =	shalt  }
0x46: {  	_ =	shalt  }
0x47: {  	_ =	shalt  }
0x48: {  	_ =	shalt  }
0x49: {  	_ =	shalt  }
0x4a: {  	_ =	shalt  }
0x4b: {  	_ =	shalt  }
0x4c: {  	_ =	shalt  }
0x4d: {  	_ =	shalt  }
0x4e: {  	_ =	shalt  }
0x4f: {  	_ =	shalt  }
0x50: {  	_ =	shalt  }
0x51: {  	_ =	shalt  }
0x52: {  	_ =	shalt  }
0x53: {  	_ =	shalt  }
0x54: {  	_ =	shalt  }
0x55: {  	_ =	shalt  }
0x56: {  	_ =	shalt  }
0x57: {  	_ =	shalt  }
0x58: {  	_ =	shalt  }
0x59: {  	_ =	shalt  }
0x5a: {  	_ =	shalt  }
0x5b: {  	_ =	shalt  }
0x5c: {  	_ =	shalt  }
0x5d: {  	_ =	shalt  }
0x5e: {  	_ =	shalt  }
0x5f: {  	_ =	shalt  }
0x60: {  	_ =	shalt  }
0x61: {  	_ =	shalt  }
0x62: {  	_ =	shalt  }
0x63: {  	_ =	shalt  }
0x64: {  	_ =	shalt  }
0x65: {  	_ =	shalt  }
0x66: {  	_ =	shalt  }
0x67: {  	_ =	shalt  }
0x68: {  	_ =	shalt  }
0x69: {  	_ =	shalt  }
0x6a: {  	_ =	shalt  }
0x6b: {  	_ =	shalt  }
0x6c: {  	_ =	shalt  }
0x6d: {  	_ =	shalt  }
0x6e: {  	_ =	shalt  }
0x6f: {  	_ =	shalt  }
0x70: {  	_ =	shalt  }
0x71: {  	_ =	shalt  }
0x72: {  	_ =	shalt  }
0x73: {  	_ =	shalt  }
0x74: {  	_ =	shalt  }
0x75: {  	_ =	shalt  }
0x76: {  	_ =	shalt  }
0x77: {  	_ =	shalt  }
0x78: {  	_ =	shalt  }
0x79: {  	_ =	shalt  }
0x7a: {  	_ =	shalt  }
0x7b: {  	_ =	shalt  }
0x7c: {  	_ =	shalt  }
0x7d: {  	_ =	shalt  }
0x7e: {  	_ =	shalt  }
0x7f: {  	_ =	shalt  }
0x80: {  	_ =	shalt  }
0x81: {  	_ =	shalt  }
0x82: {  	_ =	shalt  }
0x83: {  	_ =	shalt  }
0x84: {  	_ =	shalt  }
0x85: {  	_ =	shalt  }
0x86: {  	_ =	shalt  }
0x87: {  	_ =	shalt  }
.Lfunc_end0:
.L_simem_size_0:
called_computation.1_lowered:
.L_overlay_start_0:
0x88: {  	s2 =	sld [smem:$0x3FD9]  }
0x89: {  	s3 =	sld [smem:$0x3FFE];
	_ =	sdelay $0x1  }
0x8a: {  	s1 =	srdreg.scid  }
0x8b: {  	s0 =	sand.u32 $0x1, s1  }
0x8c: {  	s16 =	sshll.u32 s0, $0xA;
	s2 =	sadd.s32 s3, s2  }
0x8d: {  	s2 =	sadd.s32 s2, s16  }
0x8e: {  	[smem:$0x3FB7] =	sst s2  }
0x8f: {  	_ = 	snop  }
0x90: {  	(tm) =	ssettm $0x1  }
0x91: {  	s17 =	sld [smem:$0x3FFB];
	_ =	sdelay $0x3  }
0x92: {  	_ =	strace s17  }
0x93: {  	s2 =	sld [smem:$0x3FFC];
	_ =	sdelay $0x3  }
0x94: {  	_ =	strace s2  }
0x95: {  	s2 =	sld [smem:$0x3FFD];
	_ =	sdelay $0x3  }
0x96: {  	_ =	strace s2  }
0x97: {  	_ =	strace $0x8FFFFFFF  }
0x98: {  	s18 =	sld [smem:$0x3FDB];
	_ =	sdelay $0x1  }
0x99: {  	s19 =	simm.s32 $_scs_section_size  }
0x9a: {  	s4 =	simm.s32 $_size__tile_overlayer_lowered;
	s5 =	simm.s32 $_tile_overlayer_lowered  }
0x9b: {  	s22 =	simm.s32 $0x1BFF;
	s21 =	sshll.u32 s5, $0x1;
	s2 =	sadd.s32 s19, s18  }
0x9c: {  	s6 =	simm.s32 $0x0;
	s20 =	sshll.u32 s4, $0x1;
	s4 =	sadd.s32 s21, s2  }
0x9d: {  	[timem:s6], [sflag:s22] =	dma.local [hbm:s4], s20  }
0x9e: {  	_ =	swait.ge [sflag:s22], s20  }
0x9f: {  	s3 =	ssub.s32 $0x0, s20;
	[sflag:s22] =	ssyncset.done $0x0  }
0xa0: {  	[sflag:s22] =	ssyncadd.s32 s3;
	_ =	sdelay $0x1  }
0xa1: {  	s23 =	simm.s32 $0x1B8B  }
0xa2: {  	_ =	swait.ge [sflag:s23], $0x1  }
0xa3: {  	[sflag:s23] =	ssyncset.done $0x0  }
0xa4: {  	s25 =	simm.s32 $0x1B8E;
	s24 =	sld [smem:$0x3FFE];
	[sflag:s23] =	ssyncadd.s32 $0xFFFFFFFF  }
0xa5: {  	s26 =	simm.s32 $execute0_lowered;
	[smem:$0x3FD2] =	sst s25  }
0xa6: {  	s4 =	sshll.u32 s26, $0x1;
	_ =	strace $0x80000049;
	[dreg:$0x1] =	wrdreg $0xFFFFFFFF  }
0xa7: {  	s28 =	simm.s32 $_size_execute0_lowered;
	s2 =	sadd.s32 s2, s4;
	[dreg:$0x0] =	wrdreg $0x0  }
0xa8: {  	s4 =	sshll.u32 s28, $0x1;
	[dreg:$0x2] =	wrdreg s2  }
0xa9: {  	[dreg:$0x3] =	wrdreg s4  }
0xaa: {  	[dreg:$0x4] =	wrdreg $0xC0  }
0xab: {  	_ =	task [dreg:s6], $0x5FFFF  }
0xac: {  	[dreg:$0x1] =	wrdreg $0xFFFFFFFF  }
0xad: {  	[dreg:$0x0] =	wrdreg $0x60  }
0xae: {  	[dreg:$0x2] =	wrdreg s24  }
0xaf: {  	[dreg:$0x3] =	wrdreg $0x41000  }
0xb0: {  	[dreg:$0x4] =	wrdreg $0x9  }
0xb1: {  	_ =	task.clear_ibuf [dreg:s6], $0x5FFFF;
	_ =	strace $0x90000049  }
0xb2: {  	s29 =	simm.s32 $0x9;
	_ =	strace $0x8000004B  }
0xb3: {  	_ =	swait.ge [sflag:s29], $0x1  }
0xb4: {  	[sflag:s29] =	ssyncadd.s32 $0xFFFFFFFF  }
0xb5: {  	_ =	strace $0x9000004B  }
0xb6: {  	_ =	sfence  }
0xb7: {  	s30 =	sld [smem:$0x0];
	_ =	sdelay $0x2  }
0xb8: {  	s31 =	sshll.u32 s1, $0xD;
	s1 =	sshrl.u32 s1, $0x2  }
0xb9: {  	s3 =	sand.u32 $0x4000, s31;
	s1 =	sadd.s32 s1, s30  }
0xba: {  	s0 =	sor.u32 s3, s0;
	s1 =	sshll.u32 s1, $0x11  }
0xbb: {  	s0 =	sor.u32 s1, s0  }
0xbc: {  	s0 =	sadd.s32 $0x8F2B, s0  }
0xbd: {  	[sflag:s0] =	ssyncadd.remote.s32 $0x1  }
0xbe: {  	_ =	sfence.sel $0xFFFF  }
0xbf: {  	[dreg:$0x0] =	wrdreg $0xFFFFFFFF;
	(pc) =	sbr.abs _section_cstart, $3  }
0xc0: {  	[dreg:$0x1] =	wrdreg $0xFFFFFFFF  }
0xc1: {  	_ =	task.clear_ibuf [dreg:s6], $0x2FFFF;
	_ =	strace $0x9FFFFFFF  }
0xc2: {  	(tm) =	ssettm $0x7FFFFFFF  }
0xc3: {  	_ =	shalt  }
tec
execute0_lowered:
.L_overlay_start_1:
0x0: {  	(tag) =	ssettag $0x1  }
0x1: {  	s6 =	rddreg [dreg:$0x0]  }
0x2: {  	s2 =	rddreg [dreg:$0x1]  }
0x3: {  	s0 =	rddreg [dreg:$0x2]  }
0x4: {  	s1 =	stileid.u32;
	s4 =	srdreg.scid;
	s3 =	simm.s32 $0x0  }
0x5: {  	s13 =	simm.s32 $0x80;
	s14 =	simm.s32 $0x100;
	s5 =	smul.u32 $0x3B, s1  }
0x6: {  	s15 =	simm.s32 $0x1;
	s7 =	sand.u32 $0x1, s4;
	s8 =	smul.u32 $0x63, s1  }
0x7: {  	[smem:$0x7FF] =	sst s3;
	s4 =	sadd.s32 $0x17400, s6;
	s11 =	smul.u32 $0x50000, s1  }
0x8: {  	s31 =	sshll.u32 s1, $0x6;
	s17 =	smul.u32 $0x2800, s1;
	p0 =	seq.s32 s7, $0x0  }
0x9: {  	_ =	strace $0x8000004A;
	s29 =	smul.u32 $0x28000, s7;
	s7 =	ssub.s32 $0x2, s7  }
0xa: {  	s5 =	sadd.s32 $0x630, s5;
	s9 =	sshrl.u32 s7, $0x1;
	s30 =	sshrl.u32 s11, $0x2  }
0xb: {  	s5 =	smov.u32 @p0 s8;
	s8 =	sadd.s32 s29, s6;
	s9 =	ssub.s32 s7, s9  }
0xc: {  	s12 =	sadd.s32 s30, s2;
	s7 =	sor.u32 $0x1C02, s31;
	s5 =	sshll.u32 s5, $0x4  }
0xd: {  	s16 =	sadd.s32 $0x41C00, s8;
	s8 =	smax.u32 s9, $0x1;
	s11 =	sshrl.u32 s12, $0x3  }
0xe: {  	s12 =	simm.s32 $0x2;
	s10 =	sadd.s32 s5, s6;
	s5 =	sadd.s32 $0x3F400, s6  }
0xf: {  	s6 =	simm.s32 $0x63;
	s16 =	sadd.s32 s17, s16;
	s17 =	simm.s32 $0x0  }
0x10: {  	s6 =	simm.s32 @!p0 $0x3B;
	s9 =	sadd.s32 $0xD600, s10;
	s10 =	sadd.s32 $0x3800, s10  }
.LBB2_1:
0x11: {  	[spmem:s11], [sflag:s7] =	dma.local [hbm:s5], $0x2800  }
0x12: {  	_ =	swait.ge [sflag:s12], $0x2800  }
0x13: {  	[sflag:s12] =	ssyncset.done $0x0  }
0x14: {  	[sflag:s12] =	ssyncadd.s32 $0xFFFFD800  }
0x15: {  	[bflag:$0x0] =	sbarrier.arrive $0xFFFF  }
0x16: {  	[tilespmem:s3], [sflag:$0x2] =	stream.linear.gather [hbm4b:s10+s3], $0x80, $0x38;
	[tilespmem:$0x18100] =	vst v63  }
0x17: {  	_ =	swait.ge [sflag:s12], $0x80  }
0x18: {  	[sflag:s12] =	ssyncset.done $0x0  }
0x19: {  	[sflag:s12] =	ssyncadd.s32 $0xFFFFFF80  }
0x1a: {  	[tilespmem:s13], [sflag:$0x2] =	stream.linear.gather [hbm4b:s9+s3], $0x80, $0x38;
	[tilespmem:$0x18100] =	vst v63  }
0x1b: {  	_ =	swait.ge [sflag:s12], $0x80  }
0x1c: {  	[sflag:s12] =	ssyncset.done $0x0  }
0x1d: {  	[sflag:s12] =	ssyncadd.s32 $0xFFFFFF80  }
0x1e: {  	[tilespmem:s14], [sflag:$0x1] =	stream.indirect.gather [hbm4b:s4+s13], $0x80, s3, s13, $0xb8;
	[tilespmem:$0x18100] =	vst v63  }
0x1f: {  	p0 =	sne.s32 s6, $0x1;
	_ =	swait.ge [sflag:s15], $0x4000  }
.Ltmp0:
0x20: {  	[sflag:s15] =	ssyncset.done $0x0;
	(pc) =	sbr.rel @!p0 .LBB2_3-.Ltmp0, $4  }
0x21: {  	[sflag:s15] =	ssyncadd.s32 $0xFFFFC000  }
0x22: {  	[spmem:s2] =	stream.indirect.scatter.add.f32 [tilespmem:s14], [sflag:$0x2], $0x80, s13, s13, $0xb8;
	[tilespmem:$0x18100] =	vst v63  }
0x23: {  	s18 =	sadd.s32 $0xFFFFFFFF, s6;
	_ =	swait.ge [sflag:s12], $0x4000  }
0x24: {  	s19 =	smov.u32 s9;
	s20 =	smov.u32 s10;
	[sflag:s12] =	ssyncset.done $0x0  }
.LBB2_2:
0x25: {  	[sflag:s12] =	ssyncadd.s32 $0xFFFFC000;
	s19 =	sadd.s32 $0x10, s19;
	s20 =	sadd.s32 $0x10, s20  }
0x26: {  	[tilespmem:s3], [sflag:$0x2] =	stream.linear.gather [hbm4b:s20+s3], $0x80, $0x38;
	[tilespmem:$0x18100] =	vst v63  }
0x27: {  	p0 =	sne.s32 s18, $0x1;
	s18 =	sadd.s32 $0xFFFFFFFF, s18;
	_ =	swait.ge [sflag:s12], $0x80  }
0x28: {  	[sflag:s12] =	ssyncset.done $0x0  }
0x29: {  	[sflag:s12] =	ssyncadd.s32 $0xFFFFFF80  }
0x2a: {  	[tilespmem:s13], [sflag:$0x2] =	stream.linear.gather [hbm4b:s19+s3], $0x80, $0x38;
	[tilespmem:$0x18100] =	vst v63  }
0x2b: {  	_ =	swait.ge [sflag:s12], $0x80  }
0x2c: {  	[sflag:s12] =	ssyncset.done $0x0  }
0x2d: {  	[sflag:s12] =	ssyncadd.s32 $0xFFFFFF80  }
0x2e: {  	[tilespmem:s14], [sflag:$0x1] =	stream.indirect.gather [hbm4b:s4+s13], $0x80, s3, s13, $0xb8;
	[tilespmem:$0x18100] =	vst v63  }
0x2f: {  	_ =	swait.ge [sflag:s15], $0x4000  }
.Ltmp1:
0x30: {  	[sflag:s15] =	ssyncset.done $0x0;
	(pc) =	sbr.rel @p0 .LBB2_2-.Ltmp1, $4  }
0x31: {  	[sflag:s15] =	ssyncadd.s32 $0xFFFFC000  }
0x32: {  	[spmem:s2] =	stream.indirect.scatter.add.f32 [tilespmem:s14], [sflag:$0x2], $0x80, s13, s13, $0xb8;
	[tilespmem:$0x18100] =	vst v63  }
0x33: {  	_ =	swait.ge [sflag:s12], $0x4000  }
0x34: {  	[sflag:s12] =	ssyncset.done $0x0  }
.LBB2_3:
0x35: {  	s17 =	sadd.s32 $0x1, s17  }
0x36: {  	[sflag:s12] =	ssyncadd.s32 $0xFFFFC000;
	p0 =	sne.s32 s17, s8  }
.Ltmp2:
0x37: {  	[bflag:$0x0] =	sbarrier.arrive $0xFFFF;
	(pc) =	sbr.rel @p0 .LBB2_1-.Ltmp2, $4  }
0x38: {  	[hbm:s16], [sflag:s7] =	dma.local [spmem:s11], $0x2800  }
0x39: {  	_ =	swait.ge [sflag:s12], $0x2800  }
0x3a: {  	[sflag:s12] =	ssyncset.done $0x0  }
0x3b: {  	[sflag:s12] =	ssyncadd.s32 $0xFFFFD800  }
0x3c: {  	_ =	sfence.sel $0x180000  }
0x3d: {  	[bflag:$0x0] =	sbarrier.arrive $0xFFFF  }
0x3e: {  	p0 =	sne.s32 s1, $0x0;
	_ =	strace $0x9000004A  }
0x3f: {  	s0 =	sadd.s32 @!p0 $0x100000, s0;
	[bflag:$0x2] =	sbarrier.arrive $0xFFFF  }
0x40: {  	[sflag:s0] =	ssyncadd.tile.s32 @!p0 $0x1;
	_ =	shalt  }
.Lfunc_end2:
_tile_overlayer_lowered:
.L_overlay_start_2:
0x41: {  	(tag) =	ssettag $0x2  }
0x42: {  	s0 =	rddreg [dreg:$0x0];
	s2 =	stileid.u32  }
0x43: {  	s1 =	rddreg [dreg:$0x1];
	p0 =	sne.s32 s2, $0x0  }
0x44: {  	s3 =	rddreg [dreg:$0x2];
	[bflag:$0x3] =	sbarrier.arrive $0xFFFF;
	s2 =	simm.s32 @!p0 $0x1C02  }
0x45: {  	[timem:s3], [sflag:s2] =	dma.local @!p0 [hbm:s0], s1  }
0x46: {  	s0 =	simm.s32 @!p0 $0x2  }
0x47: {  	_ =	swait.ge @!p0 [sflag:s0], s1  }
0x48: {  	s1 =	ssub.s32 @!p0 $0x0, s1;
	[sflag:s0] =	ssyncset.done @!p0 $0x0  }
0x49: {  	[sflag:s0] =	ssyncadd.s32 @!p0 s1  }
0x4a: {  	[bflag:$0x3] =	sbarrier.arrive $0xFFFF  }
0x4b: {  	_ =	shalt  }

// kernel: kernel.7.cloned.1.call-start
scs
__scs_entry_jumppad:
0x0: {  	(pc) =	sbr.rel $0x88, $3  }
0x1: {  	(tag) =	ssettag $0x0;
	lr =	simm.s32 $0x1  }
0x2: {  	[smem:$0x3F90] =	sst lr;
	_ =	strace $0xD0000000  }
0x3: {  	_ = 	snop  }
0x4: {  	_ = 	snop  }
0x5: {  	_ = 	snop  }
0x6: {  	_ = 	snop  }
0x7: {  	_ = 	snop  }
__scs_overlays_trampoline_lowered:
0x8: {  	[smem:$0x3F9F] =	sst s0  }
0x9: {  	[smem:$0x3FA0] =	sst s1  }
0xa: {  	[smem:$0x3FA1] =	sst s2  }
0xb: {  	[smem:$0x3FA2] =	sst s3  }
0xc: {  	[smem:$0x3FA3] =	sst s4  }
0xd: {  	[smem:$0x3FA4] =	sst s5  }
0xe: {  	[smem:$0x3FA5] =	sst s6  }
0xf: {  	[smem:$0x3FA6] =	sst s7  }
0x10: {  	[smem:$0x3FA7] =	sst s8  }
0x11: {  	[smem:$0x3FA8] =	sst s9;
	s0 =	simm.s32 @!p0 $0x0  }
0x12: {  	s1 =	sld [smem:$0x3F8E];
	s0 =	simm.s32 @p0 $0x1  }
0x13: {  	[smem:$0x3FA9] =	sst s0;
	s0 =	simm.s32 @!p1 $0x0  }
0x14: {  	s2 =	sld [smem:$0x3F8D];
	s0 =	simm.s32 @p1 $0x1  }
0x15: {  	[smem:$0x3FAA] =	sst s0;
	s0 =	simm.s32 @!p2 $0x0  }
0x16: {  	s3 =	sld [smem:$0x3FDB];
	s0 =	simm.s32 @p2 $0x1  }
0x17: {  	s4 =	simm.s32 $0x1BF5;
	[smem:$0x3FAC] =	sst s0  }
0x18: {  	s0 =	sld [smem:$0x3F8F];
	_ =	swait.ge [sflag:s4], $0x0  }
0x19: {  	s7 =	sld [smem:$0x3F90]  }
0x1a: {  	s8 =	sadd.s32 $0xFFFFE003, lr  }
0x1b: {  	s9 =	sadd.s32 $0xFFFFFEF7, lr;
	s5 =	simm.s32 $0xFFFFFFFF;
	p2 =	slt.u32 s8, $0xFFFFF086  }
0x1c: {  	p1 =	slt.u32 s9, $0xF7A;
	s5 =	simm.s32 @!p2 $0x0  }
0x1d: {  	s5 =	simm.s32 @p1 $0x1;
	p0 =	seq.s32 s7, s2  }
0x1e: {  	s7 =	smul.u32 @!p0 $0xF7A, s2;
	p2 =	seq.s32 @!p0 s5, $0x0  }
0x1f: {  	s9 =	smul.u32 $0xF7A, s1;
	s8 =	simm.s32 @!p0 $0x1BF5;
	p2 =	por !p2, p0  }
0x20: {  	[sflag:s8] =	ssyncset.s32 @!p0 $0xFFFFF086;
	s6 =	sadd.s32 @!p0 s3, s7;
	s7 =	simm.s32 @!p0 $0x108  }
0x21: {  	s3 =	sadd.s32 s3, s9;
	s6 =	sadd.s32 @!p0 $0x88, s6;
	s7 =	simm.s32 @p2 $0x1082  }
0x22: {  	[simem:s7], [sflag:s8] =	dma.local @!p0 [hbm:s6], $0xF7A  }
0x23: {  	s9 =	sor.u32 $0xD0000000, s2;
	s6 =	simm.s32 $0x108;
	_ =	swait.ge @!p0 [sflag:s8], $0x0  }
0x24: {  	s3 =	sadd.s32 $0x88, s3;
	s6 =	simm.s32 @!p1 $0x1082;
	[sflag:s4] =	ssyncset.s32 $0xFFFFF086  }
0x25: {  	[simem:s6], [sflag:s4] =	dma.local [hbm:s3], $0xF7A  }
0x26: {  	[smem:$0x3F90] =	sst s1;
	(tag) =	ssettag s2;
	_ =	strace s9  }
0x27: {  	s1 =	sld [smem:$0x3FA0]  }
0x28: {  	s2 =	sld [smem:$0x3FA1]  }
0x29: {  	s4 =	sld [smem:$0x3FA3]  }
0x2a: {  	p0 =	seq.s32 s5, $0x0;
	s5 =	sld [smem:$0x3FA4]  }
0x2b: {  	s6 =	sld [smem:$0x3FA5]  }
0x2c: {  	s7 =	sld [smem:$0x3FA6]  }
0x2d: {  	s3 =	simm.s32 $0x108;
	s8 =	sld [smem:$0x3FA7]  }
0x2e: {  	s3 =	simm.s32 @!p0 $0x1082;
	s9 =	sld [smem:$0x3FA8]  }
0x2f: {  	lr =	sadd.s32 s0, s3;
	s0 =	sld [smem:$0x3F9F]  }
0x30: {  	s3 =	sld [smem:$0x3FA2]  }
0x31: {  	[smem:$0x3FAB] =	sst s10  }
0x32: {  	s10 =	sld [smem:$0x3FA9];
	_ =	sdelay $0x3  }
0x33: {  	p0 =	seq.s32 s10, $0x1;
	s10 =	sld [smem:$0x3FAB];
	_ =	sdelay $0x3  }
0x34: {  	[smem:$0x3FAB] =	sst s10  }
0x35: {  	s10 =	sld [smem:$0x3FAA];
	_ =	sdelay $0x3  }
0x36: {  	p1 =	seq.s32 s10, $0x1;
	s10 =	sld [smem:$0x3FAB];
	_ =	sdelay $0x3  }
0x37: {  	[smem:$0x3FAB] =	sst s10  }
0x38: {  	s10 =	sld [smem:$0x3FAC]  }
0x39: {  	_ = 	snop;
	(pc) =	sbr.ind lr, $3  }
0x3a: {  	_ = 	snop  }
0x3b: {  	_ = 	snop  }
0x3c: {  	p2 =	seq.s32 s10, $0x1;
	s10 =	sld [smem:$0x3FAB]  }
0x3d: {  	_ =	shalt  }
0x3e: {  	_ =	shalt  }
0x3f: {  	_ =	shalt  }
0x40: {  	_ =	shalt  }
0x41: {  	_ =	shalt  }
0x42: {  	_ =	shalt  }
0x43: {  	_ =	shalt  }
0x44: {  	_ =	shalt  }
0x45: {  	_ =	shalt  }
0x46: {  	_ =	shalt  }
0x47: {  	_ =	shalt  }
0x48: {  	_ =	shalt  }
0x49: {  	_ =	shalt  }
0x4a: {  	_ =	shalt  }
0x4b: {  	_ =	shalt  }
0x4c: {  	_ =	shalt  }
0x4d: {  	_ =	shalt  }
0x4e: {  	_ =	shalt  }
0x4f: {  	_ =	shalt  }
0x50: {  	_ =	shalt  }
0x51: {  	_ =	shalt  }
0x52: {  	_ =	shalt  }
0x53: {  	_ =	shalt  }
0x54: {  	_ =	shalt  }
0x55: {  	_ =	shalt  }
0x56: {  	_ =	shalt  }
0x57: {  	_ =	shalt  }
0x58: {  	_ =	shalt  }
0x59: {  	_ =	shalt  }
0x5a: {  	_ =	shalt  }
0x5b: {  	_ =	shalt  }
0x5c: {  	_ =	shalt  }
0x5d: {  	_ =	shalt  }
0x5e: {  	_ =	shalt  }
0x5f: {  	_ =	shalt  }
0x60: {  	_ =	shalt  }
0x61: {  	_ =	shalt  }
0x62: {  	_ =	shalt  }
0x63: {  	_ =	shalt  }
0x64: {  	_ =	shalt  }
0x65: {  	_ =	shalt  }
0x66: {  	_ =	shalt  }
0x67: {  	_ =	shalt  }
0x68: {  	_ =	shalt  }
0x69: {  	_ =	shalt  }
0x6a: {  	_ =	shalt  }
0x6b: {  	_ =	shalt  }
0x6c: {  	_ =	shalt  }
0x6d: {  	_ =	shalt  }
0x6e: {  	_ =	shalt  }
0x6f: {  	_ =	shalt  }
0x70: {  	_ =	shalt  }
0x71: {  	_ =	shalt  }
0x72: {  	_ =	shalt  }
0x73: {  	_ =	shalt  }
0x74: {  	_ =	shalt  }
0x75: {  	_ =	shalt  }
0x76: {  	_ =	shalt  }
0x77: {  	_ =	shalt  }
0x78: {  	_ =	shalt  }
0x79: {  	_ =	shalt  }
0x7a: {  	_ =	shalt  }
0x7b: {  	_ =	shalt  }
0x7c: {  	_ =	shalt  }
0x7d: {  	_ =	shalt  }
0x7e: {  	_ =	shalt  }
0x7f: {  	_ =	shalt  }
0x80: {  	_ =	shalt  }
0x81: {  	_ =	shalt  }
0x82: {  	_ =	shalt  }
0x83: {  	_ =	shalt  }
0x84: {  	_ =	shalt  }
0x85: {  	_ =	shalt  }
0x86: {  	_ =	shalt  }
0x87: {  	_ =	shalt  }
.Lfunc_end0:
.L_simem_size_0:
called_computation_lowered:
.L_overlay_start_0:
0x88: {  	s2 =	sld [smem:$0x3FD9]  }
0x89: {  	s3 =	sld [smem:$0x3FFE];
	_ =	sdelay $0x1  }
0x8a: {  	s1 =	srdreg.scid  }
0x8b: {  	s0 =	sand.u32 $0x1, s1  }
0x8c: {  	s16 =	sshll.u32 s0, $0xA;
	s2 =	sadd.s32 s3, s2  }
0x8d: {  	s2 =	sadd.s32 s2, s16  }
0x8e: {  	[smem:$0x3FB7] =	sst s2  }
0x8f: {  	_ = 	snop  }
0x90: {  	(tm) =	ssettm $0x1  }
0x91: {  	s17 =	sld [smem:$0x3FFB];
	_ =	sdelay $0x3  }
0x92: {  	_ =	strace s17  }
0x93: {  	s2 =	sld [smem:$0x3FFC];
	_ =	sdelay $0x3  }
0x94: {  	_ =	strace s2  }
0x95: {  	s2 =	sld [smem:$0x3FFD];
	_ =	sdelay $0x3  }
0x96: {  	_ =	strace s2  }
0x97: {  	_ =	strace $0x8FFFFFFF  }
0x98: {  	s18 =	sld [smem:$0x3FDB];
	_ =	sdelay $0x1  }
0x99: {  	s19 =	simm.s32 $_scs_section_size  }
0x9a: {  	s4 =	simm.s32 $_size__tile_overlayer_lowered;
	s5 =	simm.s32 $_tile_overlayer_lowered  }
0x9b: {  	s22 =	simm.s32 $0x1BFF;
	s21 =	sshll.u32 s5, $0x1;
	s2 =	sadd.s32 s19, s18  }
0x9c: {  	s6 =	simm.s32 $0x0;
	s20 =	sshll.u32 s4, $0x1;
	s4 =	sadd.s32 s21, s2  }
0x9d: {  	[timem:s6], [sflag:s22] =	dma.local [hbm:s4], s20  }
0x9e: {  	_ =	swait.ge [sflag:s22], s20  }
0x9f: {  	s3 =	ssub.s32 $0x0, s20;
	[sflag:s22] =	ssyncset.done $0x0  }
0xa0: {  	[sflag:s22] =	ssyncadd.s32 s3;
	_ =	sdelay $0x1  }
0xa1: {  	s23 =	simm.s32 $0x1B8B  }
0xa2: {  	_ =	swait.ge [sflag:s23], $0x1  }
0xa3: {  	[sflag:s23] =	ssyncset.done $0x0  }
0xa4: {  	s25 =	simm.s32 $0x1B8E;
	s24 =	sld [smem:$0x3FFE];
	[sflag:s23] =	ssyncadd.s32 $0xFFFFFFFF  }
0xa5: {  	s26 =	simm.s32 $execute0_lowered;
	[smem:$0x3FD2] =	sst s25  }
0xa6: {  	s4 =	sshll.u32 s26, $0x1;
	_ =	strace $0x80000046;
	[dreg:$0x1] =	wrdreg $0xFFFFFFFF  }
0xa7: {  	s28 =	simm.s32 $_size_execute0_lowered;
	s2 =	sadd.s32 s2, s4;
	[dreg:$0x0] =	wrdreg $0x0  }
0xa8: {  	s4 =	sshll.u32 s28, $0x1;
	[dreg:$0x2] =	wrdreg s2  }
0xa9: {  	[dreg:$0x3] =	wrdreg s4  }
0xaa: {  	[dreg:$0x4] =	wrdreg $0xC0  }
0xab: {  	_ =	task [dreg:s6], $0x5FFFF  }
0xac: {  	[dreg:$0x1] =	wrdreg $0xFFFFFFFF  }
0xad: {  	[dreg:$0x0] =	wrdreg $0x60  }
0xae: {  	[dreg:$0x2] =	wrdreg s24  }
0xaf: {  	[dreg:$0x3] =	wrdreg $0x41000  }
0xb0: {  	[dreg:$0x4] =	wrdreg $0x9  }
0xb1: {  	_ =	task.clear_ibuf [dreg:s6], $0x5FFFF;
	_ =	strace $0x90000046  }
0xb2: {  	s29 =	simm.s32 $0x9;
	_ =	strace $0x80000048  }
0xb3: {  	_ =	swait.ge [sflag:s29], $0x1  }
0xb4: {  	[sflag:s29] =	ssyncadd.s32 $0xFFFFFFFF  }
0xb5: {  	_ =	strace $0x90000048  }
0xb6: {  	_ =	sfence  }
0xb7: {  	s30 =	sld [smem:$0x0];
	_ =	sdelay $0x2  }
0xb8: {  	s31 =	sshll.u32 s1, $0xD;
	s1 =	sshrl.u32 s1, $0x2  }
0xb9: {  	s3 =	sand.u32 $0x4000, s31;
	s1 =	sadd.s32 s1, s30  }
0xba: {  	s0 =	sor.u32 s3, s0;
	s1 =	sshll.u32 s1, $0x11  }
0xbb: {  	s0 =	sor.u32 s1, s0  }
0xbc: {  	s0 =	sadd.s32 $0x8F2B, s0  }
0xbd: {  	[sflag:s0] =	ssyncadd.remote.s32 $0x1  }
0xbe: {  	_ =	sfence.sel $0xFFFF  }
0xbf: {  	[dreg:$0x0] =	wrdreg $0xFFFFFFFF;
	(pc) =	sbr.abs _section_cstart, $3  }
0xc0: {  	[dreg:$0x1] =	wrdreg $0xFFFFFFFF  }
0xc1: {  	_ =	task.clear_ibuf [dreg:s6], $0x2FFFF;
	_ =	strace $0x9FFFFFFF  }
0xc2: {  	(tm) =	ssettm $0x7FFFFFFF  }
0xc3: {  	_ =	shalt  }
tec
execute0_lowered:
.L_overlay_start_1:
0x0: {  	(tag) =	ssettag $0x1  }
0x1: {  	s7 =	rddreg [dreg:$0x0]  }
0x2: {  	s2 =	rddreg [dreg:$0x1]  }
0x3: {  	s0 =	stileid.u32;
	s3 =	srdreg.scid  }
0x4: {  	s1 =	rddreg [dreg:$0x2];
	s15 =	simm.s32 $0x18100;
	s16 =	simm.s32 $0x80  }
0x5: {  	s17 =	simm.s32 $0x100;
	s18 =	simm.s32 $0x1;
	s4 =	smul.u32 $0x3B, s0  }
0x6: {  	s21 =	simm.s32 $0x0;
	s8 =	sand.u32 $0x1, s3;
	s5 =	smul.u32 $0x63, s0  }
0x7: {  	s3 =	simm.s32 $0x0;
	s25 =	sshrl.u32 s0, $0x2;
	s13 =	smul.u32 $0x50000, s0  }
0x8: {  	s26 =	sshll.u32 s0, $0x8;
	s31 =	sshll.u32 s0, $0x6;
	s20 =	smul.u32 $0x2800, s0  }
0x9: {  	p0 =	seq.s32 s8, $0x0;
	[smem:$0x7FF] =	sst s3;
	s9 =	smul.u32 $0x14000, s25  }
0xa: {  	s10 =	sshll.u32 s8, $0x7;
	s11 =	sand.u32 $0x300, s26;
	s28 =	smul.u32 $0x28000, s8  }
0xb: {  	s8 =	ssub.s32 $0x2, s8;
	s6 =	sadd.s32 $0x630, s4;
	_ =	strace $0x80000047  }
0xc: {  	s4 =	sadd.s32 $0x17400, s7;
	s10 =	sor.u32 s10, s11;
	s29 =	sshrl.u32 s8, $0x1  }
0xd: {  	s30 =	sshrl.u32 s13, $0x2;
	s6 =	smov.u32 @p0 s5;
	s9 =	sor.u32 s9, s10  }
0xe: {  	s11 =	sadd.s32 s28, s7;
	s10 =	ssub.s32 s8, s29;
	s14 =	sadd.s32 s30, s2  }
0xf: {  	s8 =	sor.u32 $0x1C02, s31;
	s5 =	sshll.u32 s6, $0x4;
	s6 =	sadd.s32 $0x41C00, s7  }
0x10: {  	s9 =	sshrl.u32 s9, $0x3;
	s19 =	sadd.s32 $0x42200, s11;
	s10 =	smax.u32 s10, $0x1  }
0x11: {  	s13 =	sshrl.u32 s14, $0x3;
	s14 =	simm.s32 $0x2;
	s12 =	sadd.s32 s5, s7  }
0x12: {  	s5 =	sadd.s32 $0x3F400, s7;
	s9 =	sadd.s32 s9, s7;
	s7 =	simm.s32 $0x63  }
0x13: {  	s19 =	sadd.s32 s20, s19;
	s20 =	simm.s32 $0x400;
	s7 =	simm.s32 @!p0 $0x3B  }
0x14: {  	s9 =	sadd.s32 $0x92200, s9;
	s11 =	sadd.s32 $0xD600, s12;
	s12 =	sadd.s32 $0x3800, s12  }
.LBB2_1:
0x15: {  	[spmem:s13], [sflag:s8] =	dma.local [hbm:s5], $0x2800  }
0x16: {  	_ =	swait.ge [sflag:s14], $0x2800  }
0x17: {  	[sflag:s14] =	ssyncset.done $0x0  }
0x18: {  	[sflag:s14] =	ssyncadd.s32 $0xFFFFD800  }
0x19: {  	[tilespmem:s15], [sflag:$0x2] =	stream.linear.gather [hbm4b:s6+s3], $0x2800, $0x38;
	[tilespmem:$0x1A900] =	vst v63  }
0x1a: {  	_ =	swait.ge [sflag:s14], $0x2800  }
0x1b: {  	[sflag:s14] =	ssyncset.done $0x0  }
0x1c: {  	s22 =	smov.u32 s12;
	[sflag:s14] =	ssyncadd.s32 $0xFFFFD800  }
0x1d: {  	s23 =	smov.u32 s11;
	s24 =	smov.u32 s7;
	[bflag:$0x0] =	sbarrier.arrive $0xFFFF  }
.LBB2_2:
0x1e: {  	[tilespmem:s3], [sflag:$0x2] =	stream.linear.gather [hbm4b:s22+s3], $0x80, $0x38;
	[tilespmem:$0x1A900] =	vst v63  }
0x1f: {  	_ =	swait.ge [sflag:s14], $0x80  }
0x20: {  	[sflag:s14] =	ssyncset.done $0x0  }
0x21: {  	[sflag:s14] =	ssyncadd.s32 $0xFFFFFF80  }
0x22: {  	[tilespmem:s16], [sflag:$0x2] =	stream.linear.gather [hbm4b:s23+s3], $0x80, $0x38;
	[tilespmem:$0x1A900] =	vst v63  }
0x23: {  	_ =	swait.ge [sflag:s14], $0x80  }
0x24: {  	[sflag:s14] =	ssyncset.done $0x0  }
0x25: {  	[sflag:s14] =	ssyncadd.s32 $0xFFFFFF80  }
0x26: {  	[tilespmem:s17], [sflag:$0x1] =	stream.indirect.gather [hbm4b:s4+s16], $0x80, s3, s16, $0xb8;
	[tilespmem:$0x1A900] =	vst v63  }
0x27: {  	_ =	swait.ge [sflag:s18], $0x4000  }
0x28: {  	[sflag:s18] =	ssyncset.done $0x0  }
0x29: {  	[sflag:s18] =	ssyncadd.s32 $0xFFFFC000  }
0x2a: {  	[spmem:s2] =	stream.indirect.scatter.add.f32 [tilespmem:s17], [sflag:$0x2], $0x80, s16, s16, $0xb8;
	[tilespmem:$0x1A900] =	vst v63  }
0x2b: {  	_ =	swait.ge [sflag:s14], $0x4000  }
0x2c: {  	[sflag:s14] =	ssyncset.done $0x0  }
0x2d: {  	[sflag:s14] =	ssyncadd.s32 $0xFFFFC000  }
0x2e: {  	v0 =	vld [tilespmem:$0x80];
	_ =	sdelay $0x4  }
0x2f: {  	(xrf1) =	vunique.msk.u32 $0xffff, v0;
	_ =	sdelay $0xd  }
0x30: {  	_, v1, vm0 =	vpop (xrf1);
	_ =	sdelay $0x3  }
0x31: {  	v1 =	vcvt.s32.f32 v1;
	_ =	sdelay $0x1  }
0x32: {  	[tilespmem:v0+s15+$0x0] =	vst.idx.add.f32.msk vm0, v1  }
0x33: {  	v0 =	vld [tilespmem:$0x90];
	_ =	sdelay $0x4  }
0x34: {  	(xrf1) =	vunique.msk.u32 $0xffff, v0;
	_ =	sdelay $0xd  }
0x35: {  	_, v1, vm0 =	vpop (xrf1);
	_ =	sdelay $0x3  }
0x36: {  	v1 =	vcvt.s32.f32 v1;
	_ =	sdelay $0x1  }
0x37: {  	[tilespmem:v0+s15+$0x0] =	vst.idx.add.f32.msk vm0, v1  }
0x38: {  	v0 =	vld [tilespmem:$0xA0];
	_ =	sdelay $0x4  }
0x39: {  	(xrf1) =	vunique.msk.u32 $0xffff, v0;
	_ =	sdelay $0xd  }
0x3a: {  	_, v1, vm0 =	vpop (xrf1);
	_ =	sdelay $0x3  }
0x3b: {  	v1 =	vcvt.s32.f32 v1;
	_ =	sdelay $0x1  }
0x3c: {  	[tilespmem:v0+s15+$0x0] =	vst.idx.add.f32.msk vm0, v1  }
0x3d: {  	v0 =	vld [tilespmem:$0xB0];
	_ =	sdelay $0x4  }
0x3e: {  	(xrf1) =	vunique.msk.u32 $0xffff, v0;
	_ =	sdelay $0xd  }
0x3f: {  	_, v1, vm0 =	vpop (xrf1);
	_ =	sdelay $0x3  }
0x40: {  	v1 =	vcvt.s32.f32 v1;
	_ =	sdelay $0x1  }
0x41: {  	[tilespmem:v0+s15+$0x0] =	vst.idx.add.f32.msk vm0, v1  }
0x42: {  	v0 =	vld [tilespmem:$0xC0];
	_ =	sdelay $0x4  }
0x43: {  	(xrf1) =	vunique.msk.u32 $0xffff, v0;
	_ =	sdelay $0xd  }
0x44: {  	_, v1, vm0 =	vpop (xrf1);
	_ =	sdelay $0x3  }
0x45: {  	v1 =	vcvt.s32.f32 v1;
	_ =	sdelay $0x1  }
0x46: {  	[tilespmem:v0+s15+$0x0] =	vst.idx.add.f32.msk vm0, v1  }
0x47: {  	v0 =	vld [tilespmem:$0xD0];
	_ =	sdelay $0x4  }
0x48: {  	(xrf1) =	vunique.msk.u32 $0xffff, v0;
	_ =	sdelay $0xd  }
0x49: {  	_, v1, vm0 =	vpop (xrf1);
	_ =	sdelay $0x3  }
0x4a: {  	v1 =	vcvt.s32.f32 v1;
	_ =	sdelay $0x1  }
0x4b: {  	[tilespmem:v0+s15+$0x0] =	vst.idx.add.f32.msk vm0, v1  }
0x4c: {  	v0 =	vld [tilespmem:$0xE0];
	_ =	sdelay $0x4  }
0x4d: {  	(xrf1) =	vunique.msk.u32 $0xffff, v0;
	_ =	sdelay $0xd  }
0x4e: {  	_, v1, vm0 =	vpop (xrf1);
	_ =	sdelay $0x3  }
0x4f: {  	v1 =	vcvt.s32.f32 v1;
	_ =	sdelay $0x1  }
0x50: {  	[tilespmem:v0+s15+$0x0] =	vst.idx.add.f32.msk vm0, v1  }
0x51: {  	v0 =	vld [tilespmem:$0xF0];
	_ =	sdelay $0x4  }
0x52: {  	(xrf1) =	vunique.msk.u32 $0xffff, v0;
	_ =	sdelay $0xd  }
0x53: {  	_, v1, vm0 =	vpop (xrf1)  }
0x54: {  	p0 =	sne.s32 s24, $0x1  }
.Ltmp0:
0x55: {  	_ = 	snop;
	(pc) =	sbr.rel @p0 .LBB2_2-.Ltmp0, $3  }
0x56: {  	_ = 	snop  }
0x57: {  	v1 =	vcvt.s32.f32 v1;
	_ =	sdelay $0x1  }
0x58: {  	s22 =	sadd.s32 $0x10, s22;
	s24 =	sadd.s32 $0xFFFFFFFF, s24;
	s23 =	sadd.s32 $0x10, s23;
	[tilespmem:v0+s15+$0x0] =	vst.idx.add.f32.msk vm0, v1  }
0x59: {  	[bflag:$0x0] =	sbarrier.arrive $0xFFFF  }
0x5a: {  	[hbm:s19], [sflag:s8] =	dma.local [spmem:s13], $0x2800  }
0x5b: {  	s21 =	sadd.s32 $0x1, s21;
	_ =	swait.ge [sflag:s14], $0x2800  }
0x5c: {  	p0 =	sne.s32 s21, s10;
	[sflag:s14] =	ssyncset.done $0x0  }
.Ltmp1:
0x5d: {  	[sflag:s14] =	ssyncadd.s32 $0xFFFFD800;
	(pc) =	sbr.rel @p0 .LBB2_1-.Ltmp1, $4  }
0x5e: {  	[hbm4b:s9+s16] =	stream.strided.scatter [tilespmem:s15], [sflag:$0x2], $0x2800, s20, s16, $0x38;
	[tilespmem:$0x1A900] =	vst v63  }
0x5f: {  	_ =	swait.ge [sflag:s14], $0x2800  }
0x60: {  	[sflag:s14] =	ssyncset.done $0x0  }
0x61: {  	[sflag:s14] =	ssyncadd.s32 $0xFFFFD800  }
0x62: {  	_ =	sfence.sel $0x180000  }
0x63: {  	[bflag:$0x0] =	sbarrier.arrive $0xFFFF  }
0x64: {  	p0 =	sne.s32 s0, $0x0;
	_ =	strace $0x90000047  }
0x65: {  	s0 =	sadd.s32 @!p0 $0x100000, s1;
	[bflag:$0x2] =	sbarrier.arrive $0xFFFF  }
0x66: {  	[sflag:s0] =	ssyncadd.tile.s32 @!p0 $0x1;
	_ =	shalt  }
.Lfunc_end2:
_tile_overlayer_lowered:
.L_overlay_start_2:
0x67: {  	(tag) =	ssettag $0x2  }
0x68: {  	s0 =	rddreg [dreg:$0x0];
	s2 =	stileid.u32  }
0x69: {  	s1 =	rddreg [dreg:$0x1];
	p0 =	sne.s32 s2, $0x0  }
0x6a: {  	s3 =	rddreg [dreg:$0x2];
	[bflag:$0x3] =	sbarrier.arrive $0xFFFF;
	s2 =	simm.s32 @!p0 $0x1C02  }
0x6b: {  	[timem:s3], [sflag:s2] =	dma.local @!p0 [hbm:s0], s1  }
0x6c: {  	s0 =	simm.s32 @!p0 $0x2  }
0x6d: {  	_ =	swait.ge @!p0 [sflag:s0], s1  }
0x6e: {  	s1 =	ssub.s32 @!p0 $0x0, s1;
	[sflag:s0] =	ssyncset.done @!p0 $0x0  }
0x6f: {  	[sflag:s0] =	ssyncadd.s32 @!p0 s1  }
0x70: {  	[bflag:$0x3] =	sbarrier.arrive $0xFFFF  }
0x71: {  	_ =	shalt  }

</sc_bundles>
